<compile_context>
chip_gen: v7x
topology: tpu7x:2x2x1
jax: 0.10.2.dev20260603
libtpu: 0.0.44.dev20260713+nightly
codegen_flags: <defaults>
</compile_context>

<pallas_src>
import jax
import jax.numpy as jnp
from jax import lax
from jax.experimental import pallas as pl
from jax.experimental.pallas import tpu as pltpu
from jax.experimental.pallas import tpu_sc as plsc

B, N, C, H, W, R = 4, 8192, 64, 128, 128, 8
BN = B * N
NW = 32
P_TILE = BN // NW
CH = 64
NCH = P_TILE // CH
ROWS_PER_BATCH = H * W * R


C2 = C // 2


def _sc_body(xs_h, ys_h, as_h, lw_h, obs_h, table_h, out_h, *,
             x_v, y_v, a_v, lw_v, obs_v, w_v, idx_refs, wg_refs,
             rows_a, rows_b, sem_a, sem_b):
    cid = lax.axis_index("c")
    sid = lax.axis_index("s")
    wid = sid * 2 + cid
    b = wid // (NW // B)
    base_row = b * ROWS_PER_BATCH
    pstart = wid * P_TILE

    pltpu.sync_copy(obs_h.at[pl.ds(b * C, C)], obs_v)
    pltpu.sync_copy(xs_h.at[pl.ds(pstart, P_TILE)], x_v)
    pltpu.sync_copy(ys_h.at[pl.ds(pstart, P_TILE)], y_v)
    pltpu.sync_copy(as_h.at[pl.ds(pstart, P_TILE)], a_v)
    pltpu.sync_copy(lw_h.at[pl.ds(pstart, P_TILE)], lw_v)

    @pl.loop(0, P_TILE // 16)
    def _grp(g):
        sl = pl.ds(g * 16, 16)
        x = x_v[sl]
        y = y_v[sl]
        ang = a_v[sl]
        t = ang * (1.0 / 360.0)
        t = t - t.astype(jnp.int32).astype(jnp.float32)
        a = t * 8.0
        x0 = jnp.minimum(x.astype(jnp.int32), W - 2)
        y0 = jnp.minimum(y.astype(jnp.int32), H - 2)
        a0 = jnp.minimum(a.astype(jnp.int32), R - 1)
        fx = x - x0.astype(jnp.float32)
        fy = y - y0.astype(jnp.float32)
        fa = a - a0.astype(jnp.float32)
        gx = 1.0 - fx
        gy = 1.0 - fy
        ga = 1.0 - fa
        a1 = a0 + 1
        a1 = jnp.where(a1 == R, 0, a1)
        r00 = base_row + (y0 * W + x0) * R
        r01 = r00 + R
        r10 = r00 + W * R
        r11 = r10 + R
        off = (g // 4) * (2 * CH) + (g % 4) * 16
        sl0 = pl.ds(off, 16)
        sl1 = pl.ds(off + CH, 16)
        idx_refs[0][sl0] = r00 + a0
        idx_refs[0][sl1] = r00 + a1
        idx_refs[1][sl0] = r01 + a0
        idx_refs[1][sl1] = r01 + a1
        idx_refs[2][sl0] = r10 + a0
        idx_refs[2][sl1] = r10 + a1
        idx_refs[3][sl0] = r11 + a0
        idx_refs[3][sl1] = r11 + a1
        wg_refs[0][sl] = gy * gx * ga
        wg_refs[1][sl] = gy * gx * fa
        wg_refs[2][sl] = gy * fx * ga
        wg_refs[3][sl] = gy * fx * fa
        wg_refs[4][sl] = fy * gx * ga
        wg_refs[5][sl] = fy * gx * fa
        wg_refs[6][sl] = fy * fx * ga
        wg_refs[7][sl] = fy * fx * fa

    def fire(rows, sem, ci):
        for p in range(4):
            pltpu.async_copy(
                table_h.at[idx_refs[p].at[pl.ds(ci * 2 * CH, 2 * CH)]],
                rows[p], sem)

    def drain(rows, sem):
        for p in range(4):
            pltpu.make_async_copy(table_h.at[pl.ds(0, 2 * CH)], rows[p], sem
                                  ).wait()

    def compute(rows, ci):
        @pl.loop(0, CH // 16)
        def _grp2(g):
            gsl = pl.ds(ci * CH + g * 16, 16)
            pidx = lax.iota(jnp.int32, 16) + g * 16
            ws = [wg_refs[j][gsl] for j in range(8)]

            def cbody(cc, d2):
                cs = jnp.full((16,), cc, jnp.int32)
                m = None
                for j in range(8):
                    p, jj = j // 2, j % 2
                    v = plsc.load_gather(rows[p], [pidx + jj * CH, cs])
                    m = v * ws[j] if m is None else m + v * ws[j]
                o = plsc.load_gather(obs_v, [cs])
                u = m - o
                return d2 + u * u

            d2 = lax.fori_loop(0, C, cbody, jnp.zeros((16,), jnp.float32),
                               unroll=4)
            w_v[gsl] = jnp.exp(lw_v[gsl] - d2 * (1.0 / 128.0))

    fire(rows_a, sem_a, 0)

    @pl.loop(0, NCH // 2)
    def _pipe(i):
        ci0 = i * 2
        fire(rows_b, sem_b, ci0 + 1)
        drain(rows_a, sem_a)
        compute(rows_a, ci0)

        @pl.when(i < NCH // 2 - 1)
        def _():
            fire(rows_a, sem_a, ci0 + 2)

        drain(rows_b, sem_b)
        compute(rows_b, ci0 + 1)

    pltpu.sync_copy(w_v, out_h.at[pl.ds(pstart, P_TILE)])


def _sc_weights(xs, ys, angs, lws, obs_flat, table):
    mesh = plsc.VectorSubcoreMesh(core_axis_name="c", subcore_axis_name="s",
                                  num_cores=2, num_subcores=16)
    fn = pl.kernel(
        _sc_body,
        out_type=jax.ShapeDtypeStruct((BN,), jnp.float32),
        mesh=mesh,
        scratch_types=dict(
            x_v=pltpu.VMEM((P_TILE,), jnp.float32),
            y_v=pltpu.VMEM((P_TILE,), jnp.float32),
            a_v=pltpu.VMEM((P_TILE,), jnp.float32),
            lw_v=pltpu.VMEM((P_TILE,), jnp.float32),
            obs_v=pltpu.VMEM((C,), jnp.float32),
            w_v=pltpu.VMEM((P_TILE,), jnp.float32),
            idx_refs=[pltpu.VMEM((2 * P_TILE,), jnp.int32) for _ in range(4)],
            wg_refs=[pltpu.VMEM((P_TILE,), jnp.float32) for _ in range(8)],
            rows_a=[pltpu.VMEM((2 * CH, C), jnp.float32) for _ in range(4)],
            rows_b=[pltpu.VMEM((2 * CH, C), jnp.float32) for _ in range(4)],
            sem_a=pltpu.SemaphoreType.DMA,
            sem_b=pltpu.SemaphoreType.DMA,
        ),
        compiler_params=pltpu.CompilerParams(needs_layout_passes=False,
                                             use_tc_tiling_on_sc=False),
    )
    return fn(xs, ys, angs, lws, obs_flat, table)


def _norm_body(w_ref, o_ref):
    w = w_ref[...]
    o_ref[...] = w / jnp.sum(w, axis=1, keepdims=True)


def kernel(particles, encoded_global_map, encoded_observations,
           unnormalized_resampled_particle_log_weights):
    table = jnp.moveaxis(encoded_global_map, 1, -1).reshape(B * H * W * R, C)
    w_un = _sc_weights(
        particles[..., 0].reshape(BN),
        particles[..., 1].reshape(BN),
        particles[..., 2].reshape(BN),
        unnormalized_resampled_particle_log_weights.reshape(BN),
        encoded_observations.reshape(B * C), table).reshape(B, N)
    return pl.pallas_call(
        _norm_body,
        out_shape=jax.ShapeDtypeStruct((B, N), jnp.float32),
    )(w_un)

# --- scband reference (transcript-rebuilt; emitter-appended) ---
"""Pipeline reference for scband-retrieval-for-gaussian-pfweight-model-38568806318460 (READ-ONLY COPY).

The authoritative reference and input builder live on the scoring server;
editing this copy changes nothing except your own understanding.
"""

import jax, jax.numpy as jnp
import numpy as np

OBS_STD = 8.0


def grid_sample_3d(vol, grid):
    # vol: [B, C, D, H, W]; grid: [B, Do, Ho, Wo, 3] with last dim (x->W, y->H, z->D),
    # normalized to [-1, 1], align_corners=True, padding_mode='zeros', mode='bilinear' (trilinear).
    B, C, D, H, W = vol.shape
    x = (grid[..., 0] + 1.0) * (W - 1) / 2.0
    y = (grid[..., 1] + 1.0) * (H - 1) / 2.0
    z = (grid[..., 2] + 1.0) * (D - 1) / 2.0
    x0 = jnp.floor(x)
    y0 = jnp.floor(y)
    z0 = jnp.floor(z)
    wx1 = x - x0
    wy1 = y - y0
    wz1 = z - z0
    wx0 = 1.0 - wx1
    wy0 = 1.0 - wy1
    wz0 = 1.0 - wz1
    b = jnp.arange(B).reshape((B,) + (1,) * (grid.ndim - 2))

    def corner(zf, yf, xf, w):
        inb = (zf >= 0) & (zf <= D - 1) & (yf >= 0) & (yf <= H - 1) & (xf >= 0) & (xf <= W - 1)
        zi = jnp.clip(zf, 0, D - 1).astype(jnp.int32)
        yi = jnp.clip(yf, 0, H - 1).astype(jnp.int32)
        xi = jnp.clip(xf, 0, W - 1).astype(jnp.int32)
        v = vol[b, :, zi, yi, xi]  # [B, Do, Ho, Wo, C] (gather)
        return v * (w * inb.astype(vol.dtype))[..., None]

    out = corner(z0, y0, x0, wz0 * wy0 * wx0)
    out = out + corner(z0, y0, x0 + 1, wz0 * wy0 * wx1)
    out = out + corner(z0, y0 + 1, x0, wz0 * wy1 * wx0)
    out = out + corner(z0, y0 + 1, x0 + 1, wz0 * wy1 * wx1)
    out = out + corner(z0 + 1, y0, x0, wz1 * wy0 * wx0)
    out = out + corner(z0 + 1, y0, x0 + 1, wz1 * wy0 * wx1)
    out = out + corner(z0 + 1, y0 + 1, x0, wz1 * wy1 * wx0)
    out = out + corner(z0 + 1, y0 + 1, x0 + 1, wz1 * wy1 * wx1)
    return jnp.moveaxis(out, -1, 1)  # [B, C, Do, Ho, Wo]


def sample_xyr(volume, xy, angle):
    # volume: [B, C, H, W, R] rotation-binned map features (OrienterNet voting.py style).
    vol_p = jnp.concatenate([volume, volume[..., :1]], axis=-1)  # wrap angle dim -> R+1
    size = jnp.array([volume.shape[3], volume.shape[2]], dtype=volume.dtype)  # (W, H)
    xy_norm = xy / (size - 1.0)
    angle_norm = (angle / 360.0) % 1.0
    grid = jnp.concatenate([angle_norm[..., None], xy_norm], axis=-1)  # (angle, x, y)
    grid_norm = grid * 2.0 - 1.0
    valid = jnp.all((grid_norm >= -1.0) & (grid_norm <= 1.0), axis=-1)
    # vol_p viewed as (B, C, D=H_map, H=W_map, W=R+1); grid order (angle->R+1, x->W_map, y->H_map)
    value = grid_sample_3d(vol_p, grid_norm)
    return value, valid


def setup_inputs(seed: int = 0) -> dict:
    key = jax.random.key(seed)
    k1, k2, k3, k4 = jax.random.split(key, 4)
    B, N, C, H, W, R = 4, 8192, 64, 128, 128, 8
    u = jax.random.uniform(k1, (B, N, 3), dtype=jnp.float32)
    particles = u * jnp.array([W - 1.0, H - 1.0, 360.0], dtype=jnp.float32)
    encoded_global_map = jax.random.normal(k2, (B, C, H, W, R), dtype=jnp.float32)
    encoded_observations = jax.random.normal(k3, (B, C), dtype=jnp.float32)
    lw = jax.random.normal(k4, (B, N), dtype=jnp.float32) * 0.1
    return {
        "particles": particles,
        "encoded_global_map": encoded_global_map,
        "encoded_observations": encoded_observations,
        "unnormalized_resampled_particle_log_weights": lw,
    }


def reference(particles, encoded_global_map, encoded_observations, unnormalized_resampled_particle_log_weights):
    obs_std_squared = OBS_STD ** 2
    xy = particles[..., 0:2][:, :, None, None, :]        # [B, N, 1, 1, 2]
    rot = particles[..., 2][:, :, None, None]            # [B, N, 1, 1]
    map_enc, _ = sample_xyr(encoded_global_map, xy, rot)  # [B, C, N, 1, 1]
    map_enc = map_enc[..., 0, 0]                          # [B, C, N]
    map_enc = jnp.transpose(map_enc, (0, 2, 1))           # [B, N, C]
    d2 = jnp.sum((map_enc - encoded_observations[:, None, :]) ** 2, axis=-1)
    w = jnp.exp(-d2 / (2.0 * obs_std_squared))
    w = w * jnp.exp(unnormalized_resampled_particle_log_weights)
    new_particle_weights = w / jnp.sum(w, axis=1, keepdims=True)
    return new_particle_weights

if __name__ == "__main__":
    import jax
    _d = setup_inputs()
    print(jax.jit(kernel)(*tuple(_d.values())))

</pallas_src>

<mosaic_0001>
#map = affine_map<(d0, d1) -> (0)>
#map1 = affine_map<(d0, d1) -> (0, 0)>
module attributes {stable_mosaic.version = 14 : i64} {
  func.func @_sc_body(%arg0: i32, %arg1: i32, %arg2: memref<32768xf32, #tpu.memory_space<hbm>>, %arg3: memref<32768xf32, #tpu.memory_space<hbm>>, %arg4: memref<32768xf32, #tpu.memory_space<hbm>>, %arg5: memref<32768xf32, #tpu.memory_space<hbm>>, %arg6: memref<256xf32, #tpu.memory_space<hbm>>, %arg7: memref<524288x64xf32, #tpu.memory_space<hbm>>, %arg8: memref<32768xf32, #tpu.memory_space<hbm>>, %arg9: memref<1024xf32, #tpu.memory_space<vmem>>, %arg10: memref<2048xi32, #tpu.memory_space<vmem>>, %arg11: memref<2048xi32, #tpu.memory_space<vmem>>, %arg12: memref<2048xi32, #tpu.memory_space<vmem>>, %arg13: memref<2048xi32, #tpu.memory_space<vmem>>, %arg14: memref<1024xf32, #tpu.memory_space<vmem>>, %arg15: memref<64xf32, #tpu.memory_space<vmem>>, %arg16: memref<128x64xf32, #tpu.memory_space<vmem>>, %arg17: memref<128x64xf32, #tpu.memory_space<vmem>>, %arg18: memref<128x64xf32, #tpu.memory_space<vmem>>, %arg19: memref<128x64xf32, #tpu.memory_space<vmem>>, %arg20: memref<128x64xf32, #tpu.memory_space<vmem>>, %arg21: memref<128x64xf32, #tpu.memory_space<vmem>>, %arg22: memref<128x64xf32, #tpu.memory_space<vmem>>, %arg23: memref<128x64xf32, #tpu.memory_space<vmem>>, %arg24: memref<!tpu.dma_semaphore, #tpu.memory_space<semaphore_mem>>, %arg25: memref<!tpu.dma_semaphore, #tpu.memory_space<semaphore_mem>>, %arg26: memref<1024xf32, #tpu.memory_space<vmem>>, %arg27: memref<1024xf32, #tpu.memory_space<vmem>>, %arg28: memref<1024xf32, #tpu.memory_space<vmem>>, %arg29: memref<1024xf32, #tpu.memory_space<vmem>>, %arg30: memref<1024xf32, #tpu.memory_space<vmem>>, %arg31: memref<1024xf32, #tpu.memory_space<vmem>>, %arg32: memref<1024xf32, #tpu.memory_space<vmem>>, %arg33: memref<1024xf32, #tpu.memory_space<vmem>>, %arg34: memref<1024xf32, #tpu.memory_space<vmem>>, %arg35: memref<1024xf32, #tpu.memory_space<vmem>>, %arg36: memref<1024xf32, #tpu.memory_space<vmem>>) attributes {dimension_semantics = [#tpu.dimension_semantics<core_parallel>, #tpu.dimension_semantics<subcore_parallel>], iteration_bounds = array<i64: 2, 16>, scalar_prefetch = 0 : i64, scratch_operands = 28 : i64, tpu.core_type = #tpu.core_type<sc_vector_subcore>, window_params = [{transform_indices = #map}, {transform_indices = #map}, {transform_indices = #map}, {transform_indices = #map}, {transform_indices = #map}, {transform_indices = #map1}, {transform_indices = #map}]} {
    %mul3A = arith.constant 2 : i32
    %mul3A_0 = arith.muli %arg1, %mul3A : i32
    %add3A = arith.addi %mul3A_0, %arg0 : i32
    %jit3A = arith.constant 8 : i32
    %div3A = arith.divsi %add3A, %jit3A : i32
    %sign3A = arith.constant 0 : i32
    %sign3A_1 = arith.cmpi sgt, %add3A, %sign3A : i32
    %sign3A_2 = arith.extui %sign3A_1 : i1 to i32
    %sign3A_3 = arith.constant 0 : i32
    %sign3A_4 = arith.cmpi slt, %add3A, %sign3A_3 : i32
    %sign3A_5 = arith.extui %sign3A_4 : i1 to i32
    %sign3A_6 = arith.subi %sign3A_2, %sign3A_5 : i32
    %sign3A_7 = arith.constant 0 : i32
    %sign3A_8 = arith.cmpi sgt, %jit3A, %sign3A_7 : i32
    %sign3A_9 = arith.extui %sign3A_8 : i1 to i32
    %sign3A_10 = arith.constant 0 : i32
    %sign3A_11 = arith.cmpi slt, %jit3A, %sign3A_10 : i32
    %sign3A_12 = arith.extui %sign3A_11 : i1 to i32
    %sign3A_13 = arith.subi %sign3A_9, %sign3A_12 : i32
    %ne3A = arith.cmpi ne, %sign3A_6, %sign3A_13 : i32
    %rem3A = arith.remsi %add3A, %jit3A : i32
    %ne3A_14 = arith.constant 0 : i32
    %ne3A_15 = arith.cmpi ne, %rem3A, %ne3A_14 : i32
    %and3A = arith.andi %ne3A, %ne3A_15 : i1
    %sub3A = arith.constant 1 : i32
    %sub3A_16 = arith.subi %div3A, %sub3A : i32
    %select_n3A = arith.select %and3A, %sub3A_16, %div3A : i32
    %mul3A_17 = arith.constant 131072 : i32
    %mul3A_18 = arith.muli %select_n3A, %mul3A_17 : i32
    %mul3A_19 = arith.constant 1024 : i32
    %mul3A_20 = arith.muli %add3A, %mul3A_19 : i32
    %mul3A_21 = arith.constant 64 : i32
    %mul3A_22 = arith.muli %select_n3A, %mul3A_21 : i32
    "tpu.region"() ({
      %run_scoped3A = tpu.sem_alloc : memref<!tpu.dma_semaphore, #tpu.memory_space<semaphore_mem>>
      %dma_start3A_51 = tpu.memref_slice %arg6[%mul3A_22] : memref<256xf32, #tpu.memory_space<hbm>> -> memref<64xf32, #tpu.memory_space<hbm>>
      %dma_start3A_52 = tpu.memref_slice %arg6[%mul3A_22] : memref<256xf32, #tpu.memory_space<hbm>> -> memref<64xf32, #tpu.memory_space<hbm>>
      tpu.enqueue_dma source(%dma_start3A_52 : memref<64xf32, #tpu.memory_space<hbm>>) target(%arg15 : memref<64xf32, #tpu.memory_space<vmem>>) target_semaphore(%run_scoped3A : memref<!tpu.dma_semaphore, #tpu.memory_space<semaphore_mem>>)
      %dma_wait3A = tpu.memref_slice %arg6[%mul3A_22] : memref<256xf32, #tpu.memory_space<hbm>> -> memref<64xf32, #tpu.memory_space<hbm>>
      %dma_wait3A_53 = tpu.memref_slice %arg6[%mul3A_22] : memref<256xf32, #tpu.memory_space<hbm>> -> memref<64xf32, #tpu.memory_space<hbm>>
      tpu.wait_dma2 semaphore(%run_scoped3A : memref<!tpu.dma_semaphore, #tpu.memory_space<semaphore_mem>>) src(%dma_wait3A_53 : memref<64xf32, #tpu.memory_space<hbm>>) dst(%arg15 : memref<64xf32, #tpu.memory_space<vmem>>)
      tpu.yield
    }) : () -> ()
    "tpu.region"() ({
      %run_scoped3A = tpu.sem_alloc : memref<!tpu.dma_semaphore, #tpu.memory_space<semaphore_mem>>
      %dma_start3A_51 = tpu.memref_slice %arg2[%mul3A_20] : memref<32768xf32, #tpu.memory_space<hbm>> -> memref<1024xf32, #tpu.memory_space<hbm>>
      %dma_start3A_52 = tpu.memref_slice %arg2[%mul3A_20] : memref<32768xf32, #tpu.memory_space<hbm>> -> memref<1024xf32, #tpu.memory_space<hbm>>
      tpu.enqueue_dma source(%dma_start3A_52 : memref<1024xf32, #tpu.memory_space<hbm>>) target(%arg35 : memref<1024xf32, #tpu.memory_space<vmem>>) target_semaphore(%run_scoped3A : memref<!tpu.dma_semaphore, #tpu.memory_space<semaphore_mem>>)
      %dma_wait3A = tpu.memref_slice %arg2[%mul3A_20] : memref<32768xf32, #tpu.memory_space<hbm>> -> memref<1024xf32, #tpu.memory_space<hbm>>
      %dma_wait3A_53 = tpu.memref_slice %arg2[%mul3A_20] : memref<32768xf32, #tpu.memory_space<hbm>> -> memref<1024xf32, #tpu.memory_space<hbm>>
      tpu.wait_dma2 semaphore(%run_scoped3A : memref<!tpu.dma_semaphore, #tpu.memory_space<semaphore_mem>>) src(%dma_wait3A_53 : memref<1024xf32, #tpu.memory_space<hbm>>) dst(%arg35 : memref<1024xf32, #tpu.memory_space<vmem>>)
      tpu.yield
    }) : () -> ()
    "tpu.region"() ({
      %run_scoped3A = tpu.sem_alloc : memref<!tpu.dma_semaphore, #tpu.memory_space<semaphore_mem>>
      %dma_start3A_51 = tpu.memref_slice %arg3[%mul3A_20] : memref<32768xf32, #tpu.memory_space<hbm>> -> memref<1024xf32, #tpu.memory_space<hbm>>
      %dma_start3A_52 = tpu.memref_slice %arg3[%mul3A_20] : memref<32768xf32, #tpu.memory_space<hbm>> -> memref<1024xf32, #tpu.memory_space<hbm>>
      tpu.enqueue_dma source(%dma_start3A_52 : memref<1024xf32, #tpu.memory_space<hbm>>) target(%arg36 : memref<1024xf32, #tpu.memory_space<vmem>>) target_semaphore(%run_scoped3A : memref<!tpu.dma_semaphore, #tpu.memory_space<semaphore_mem>>)
      %dma_wait3A = tpu.memref_slice %arg3[%mul3A_20] : memref<32768xf32, #tpu.memory_space<hbm>> -> memref<1024xf32, #tpu.memory_space<hbm>>
      %dma_wait3A_53 = tpu.memref_slice %arg3[%mul3A_20] : memref<32768xf32, #tpu.memory_space<hbm>> -> memref<1024xf32, #tpu.memory_space<hbm>>
      tpu.wait_dma2 semaphore(%run_scoped3A : memref<!tpu.dma_semaphore, #tpu.memory_space<semaphore_mem>>) src(%dma_wait3A_53 : memref<1024xf32, #tpu.memory_space<hbm>>) dst(%arg36 : memref<1024xf32, #tpu.memory_space<vmem>>)
      tpu.yield
    }) : () -> ()
    "tpu.region"() ({
      %run_scoped3A = tpu.sem_alloc : memref<!tpu.dma_semaphore, #tpu.memory_space<semaphore_mem>>
      %dma_start3A_51 = tpu.memref_slice %arg4[%mul3A_20] : memref<32768xf32, #tpu.memory_space<hbm>> -> memref<1024xf32, #tpu.memory_space<hbm>>
      %dma_start3A_52 = tpu.memref_slice %arg4[%mul3A_20] : memref<32768xf32, #tpu.memory_space<hbm>> -> memref<1024xf32, #tpu.memory_space<hbm>>
      tpu.enqueue_dma source(%dma_start3A_52 : memref<1024xf32, #tpu.memory_space<hbm>>) target(%arg9 : memref<1024xf32, #tpu.memory_space<vmem>>) target_semaphore(%run_scoped3A : memref<!tpu.dma_semaphore, #tpu.memory_space<semaphore_mem>>)
      %dma_wait3A = tpu.memref_slice %arg4[%mul3A_20] : memref<32768xf32, #tpu.memory_space<hbm>> -> memref<1024xf32, #tpu.memory_space<hbm>>
      %dma_wait3A_53 = tpu.memref_slice %arg4[%mul3A_20] : memref<32768xf32, #tpu.memory_space<hbm>> -> memref<1024xf32, #tpu.memory_space<hbm>>
      tpu.wait_dma2 semaphore(%run_scoped3A : memref<!tpu.dma_semaphore, #tpu.memory_space<semaphore_mem>>) src(%dma_wait3A_53 : memref<1024xf32, #tpu.memory_space<hbm>>) dst(%arg9 : memref<1024xf32, #tpu.memory_space<vmem>>)
      tpu.yield
    }) : () -> ()
    "tpu.region"() ({
      %run_scoped3A = tpu.sem_alloc : memref<!tpu.dma_semaphore, #tpu.memory_space<semaphore_mem>>
      %dma_start3A_51 = tpu.memref_slice %arg5[%mul3A_20] : memref<32768xf32, #tpu.memory_space<hbm>> -> memref<1024xf32, #tpu.memory_space<hbm>>
      %dma_start3A_52 = tpu.memref_slice %arg5[%mul3A_20] : memref<32768xf32, #tpu.memory_space<hbm>> -> memref<1024xf32, #tpu.memory_space<hbm>>
      tpu.enqueue_dma source(%dma_start3A_52 : memref<1024xf32, #tpu.memory_space<hbm>>) target(%arg14 : memref<1024xf32, #tpu.memory_space<vmem>>) target_semaphore(%run_scoped3A : memref<!tpu.dma_semaphore, #tpu.memory_space<semaphore_mem>>)
      %dma_wait3A = tpu.memref_slice %arg5[%mul3A_20] : memref<32768xf32, #tpu.memory_space<hbm>> -> memref<1024xf32, #tpu.memory_space<hbm>>
      %dma_wait3A_53 = tpu.memref_slice %arg5[%mul3A_20] : memref<32768xf32, #tpu.memory_space<hbm>> -> memref<1024xf32, #tpu.memory_space<hbm>>
      tpu.wait_dma2 semaphore(%run_scoped3A : memref<!tpu.dma_semaphore, #tpu.memory_space<semaphore_mem>>) src(%dma_wait3A_53 : memref<1024xf32, #tpu.memory_space<hbm>>) dst(%arg14 : memref<1024xf32, #tpu.memory_space<vmem>>)
      tpu.yield
    }) : () -> ()
    %scan3A = arith.constant 0 : i32
    %scan3A_23 = arith.constant 64 : i32
    %scan3A_24 = arith.addi %scan3A, %scan3A_23 : i32
    %scan3A_25 = arith.constant 1 : i32
    scf.for %scan3A_51 = %scan3A to %scan3A_24 step %scan3A_25  : i32 {
      %mul3A_52 = arith.constant 1 : i32
      %mul3A_53 = arith.muli %scan3A_51, %mul3A_52 : i32
      %add3A_54 = arith.constant 0 : i32
      %add3A_55 = arith.addi %add3A_54, %mul3A_53 : i32
      %mul3A_56 = arith.constant 16 : i32
      %mul3A_57 = arith.muli %add3A_55, %mul3A_56 : i32
      %get3A = arith.index_cast %mul3A_57 : i32 to index
      %get3A_58 = tpu.vector_load %arg35[%get3A] {strides = array<i32>} : memref<1024xf32, #tpu.memory_space<vmem>>, vector<16xf32>,
      %get3A_59 = arith.index_cast %mul3A_57 : i32 to index
      %get3A_60 = tpu.vector_load %arg36[%get3A_59] {strides = array<i32>} : memref<1024xf32, #tpu.memory_space<vmem>>, vector<16xf32>,
      %get3A_61 = arith.index_cast %mul3A_57 : i32 to index
      %get3A_62 = tpu.vector_load %arg9[%get3A_61] {strides = array<i32>} : memref<1024xf32, #tpu.memory_space<vmem>>, vector<16xf32>,
      %mul3A_63 = arith.constant 0.00277777785 : f32
      %mul3A_64 = vector.broadcast %mul3A_63 : f32 to vector<16xf32>
      %mul3A_65 = arith.mulf %get3A_62, %mul3A_64 : vector<16xf32>
      %convert_element_type3A = arith.fptosi %mul3A_65 : vector<16xf32> to vector<16xi32>
      %convert_element_type3A_66 = arith.sitofp %convert_element_type3A : vector<16xi32> to vector<16xf32>
      %sub3A_67 = arith.subf %mul3A_65, %convert_element_type3A_66 : vector<16xf32>
      %mul3A_68 = arith.constant 8.000000e+00 : f32
      %mul3A_69 = vector.broadcast %mul3A_68 : f32 to vector<16xf32>
      %mul3A_70 = arith.mulf %sub3A_67, %mul3A_69 : vector<16xf32>
      %convert_element_type3A_71 = arith.fptosi %get3A_58 : vector<16xf32> to vector<16xi32>
      %min3A = arith.constant 126 : i32
      %min3A_72 = vector.broadcast %min3A : i32 to vector<16xi32>
      %min3A_73 = arith.minsi %convert_element_type3A_71, %min3A_72 : vector<16xi32>
      %convert_element_type3A_74 = arith.fptosi %get3A_60 : vector<16xf32> to vector<16xi32>
      %min3A_75 = arith.constant 126 : i32
      %min3A_76 = vector.broadcast %min3A_75 : i32 to vector<16xi32>
      %min3A_77 = arith.minsi %convert_element_type3A_74, %min3A_76 : vector<16xi32>
      %convert_element_type3A_78 = arith.fptosi %mul3A_70 : vector<16xf32> to vector<16xi32>
      %min3A_79 = arith.constant 7 : i32
      %min3A_80 = vector.broadcast %min3A_79 : i32 to vector<16xi32>
      %min3A_81 = arith.minsi %convert_element_type3A_78, %min3A_80 : vector<16xi32>
      %convert_element_type3A_82 = arith.sitofp %min3A_73 : vector<16xi32> to vector<16xf32>
      %sub3A_83 = arith.subf %get3A_58, %convert_element_type3A_82 : vector<16xf32>
      %convert_element_type3A_84 = arith.sitofp %min3A_77 : vector<16xi32> to vector<16xf32>
      %sub3A_85 = arith.subf %get3A_60, %convert_element_type3A_84 : vector<16xf32>
      %convert_element_type3A_86 = arith.sitofp %min3A_81 : vector<16xi32> to vector<16xf32>
      %sub3A_87 = arith.subf %mul3A_70, %convert_element_type3A_86 : vector<16xf32>
      %sub3A_88 = arith.constant 1.000000e+00 : f32
      %sub3A_89 = vector.broadcast %sub3A_88 : f32 to vector<16xf32>
      %sub3A_90 = arith.subf %sub3A_89, %sub3A_83 : vector<16xf32>
      %sub3A_91 = arith.constant 1.000000e+00 : f32
      %sub3A_92 = vector.broadcast %sub3A_91 : f32 to vector<16xf32>
      %sub3A_93 = arith.subf %sub3A_92, %sub3A_85 : vector<16xf32>
      %sub3A_94 = arith.constant 1.000000e+00 : f32
      %sub3A_95 = vector.broadcast %sub3A_94 : f32 to vector<16xf32>
      %sub3A_96 = arith.subf %sub3A_95, %sub3A_87 : vector<16xf32>
      %add3A_97 = arith.constant 1 : i32
      %add3A_98 = vector.broadcast %add3A_97 : i32 to vector<16xi32>
      %add3A_99 = arith.addi %min3A_81, %add3A_98 : vector<16xi32>
      %eq3A = arith.constant 8 : i32
      %eq3A_100 = vector.broadcast %eq3A : i32 to vector<16xi32>
      %eq3A_101 = arith.cmpi eq, %add3A_99, %eq3A_100 : vector<16xi32>
      %jit3A_102 = arith.constant 0 : i32
      %broadcast_in_dim3A = vector.broadcast %jit3A_102 : i32 to vector<16xi32>
      %select_n3A_103 = arith.select %eq3A_101, %broadcast_in_dim3A, %add3A_99 : vector<16xi1>, vector<16xi32>
      %mul3A_104 = arith.constant 128 : i32
      %mul3A_105 = vector.broadcast %mul3A_104 : i32 to vector<16xi32>
      %mul3A_106 = arith.muli %min3A_77, %mul3A_105 : vector<16xi32>
      %add3A_107 = arith.addi %mul3A_106, %min3A_73 : vector<16xi32>
      %mul3A_108 = arith.constant 8 : i32
      %mul3A_109 = vector.broadcast %mul3A_108 : i32 to vector<16xi32>
      %mul3A_110 = arith.muli %add3A_107, %mul3A_109 : vector<16xi32>
      %add3A_111 = vector.broadcast %mul3A_18 : i32 to vector<16xi32>
      %add3A_112 = arith.addi %add3A_111, %mul3A_110 : vector<16xi32>
      %add3A_113 = arith.constant 8 : i32
      %add3A_114 = vector.broadcast %add3A_113 : i32 to vector<16xi32>
      %add3A_115 = arith.addi %add3A_112, %add3A_114 : vector<16xi32>
      %add3A_116 = arith.constant 1024 : i32
      %add3A_117 = vector.broadcast %add3A_116 : i32 to vector<16xi32>
      %add3A_118 = arith.addi %add3A_112, %add3A_117 : vector<16xi32>
      %add3A_119 = arith.constant 8 : i32
      %add3A_120 = vector.broadcast %add3A_119 : i32 to vector<16xi32>
      %add3A_121 = arith.addi %add3A_118, %add3A_120 : vector<16xi32>
      %jit3A_122 = arith.constant 4 : i32
      %div3A_123 = arith.divsi %add3A_55, %jit3A_122 : i32
      %sign3A_124 = arith.constant 0 : i32
      %sign3A_125 = arith.cmpi sgt, %add3A_55, %sign3A_124 : i32
      %sign3A_126 = arith.extui %sign3A_125 : i1 to i32
      %sign3A_127 = arith.constant 0 : i32
      %sign3A_128 = arith.cmpi slt, %add3A_55, %sign3A_127 : i32
      %sign3A_129 = arith.extui %sign3A_128 : i1 to i32
      %sign3A_130 = arith.subi %sign3A_126, %sign3A_129 : i32
      %sign3A_131 = arith.constant 0 : i32
      %sign3A_132 = arith.cmpi sgt, %jit3A_122, %sign3A_131 : i32
      %sign3A_133 = arith.extui %sign3A_132 : i1 to i32
      %sign3A_134 = arith.constant 0 : i32
      %sign3A_135 = arith.cmpi slt, %jit3A_122, %sign3A_134 : i32
      %sign3A_136 = arith.extui %sign3A_135 : i1 to i32
      %sign3A_137 = arith.subi %sign3A_133, %sign3A_136 : i32
      %ne3A_138 = arith.cmpi ne, %sign3A_130, %sign3A_137 : i32
      %rem3A_139 = arith.remsi %add3A_55, %jit3A_122 : i32
      %ne3A_140 = arith.constant 0 : i32
      %ne3A_141 = arith.cmpi ne, %rem3A_139, %ne3A_140 : i32
      %and3A_142 = arith.andi %ne3A_138, %ne3A_141 : i1
      %sub3A_143 = arith.constant 1 : i32
      %sub3A_144 = arith.subi %div3A_123, %sub3A_143 : i32
      %select_n3A_145 = arith.select %and3A_142, %sub3A_144, %div3A_123 : i32
      %mul3A_146 = arith.constant 128 : i32
      %mul3A_147 = arith.muli %select_n3A_145, %mul3A_146 : i32
      %jit3A_148 = arith.constant 4 : i32
      %eq3A_149 = arith.constant 0 : i32
      %eq3A_150 = arith.cmpi eq, %jit3A_148, %eq3A_149 : i32
      %jit3A_151 = arith.constant 1 : i32
      %select_n3A_152 = arith.select %eq3A_150, %jit3A_151, %jit3A_148 : i32
      %rem3A_153 = arith.remsi %add3A_55, %select_n3A_152 : i32
      %ne3A_154 = arith.constant 0 : i32
      %ne3A_155 = arith.cmpi ne, %rem3A_153, %ne3A_154 : i32
      %lt3A = arith.constant 0 : i32
      %lt3A_156 = arith.cmpi slt, %rem3A_153, %lt3A : i32
      %lt3A_157 = arith.constant 0 : i32
      %lt3A_158 = arith.cmpi slt, %select_n3A_152, %lt3A_157 : i32
      %ne3A_159 = arith.xori %lt3A_156, %lt3A_158 : i1
      %and3A_160 = arith.andi %ne3A_159, %ne3A_155 : i1
      %add3A_161 = arith.addi %rem3A_153, %select_n3A_152 : i32
      %select_n3A_162 = arith.select %and3A_160, %add3A_161, %rem3A_153 : i32
      %mul3A_163 = arith.constant 16 : i32
      %mul3A_164 = arith.muli %select_n3A_162, %mul3A_163 : i32
      %add3A_165 = arith.addi %mul3A_147, %mul3A_164 : i32
      %add3A_166 = arith.constant 64 : i32
      %add3A_167 = arith.addi %add3A_165, %add3A_166 : i32
      %add3A_168 = arith.addi %add3A_112, %min3A_81 : vector<16xi32>
      %swap3A = arith.index_cast %add3A_165 : i32 to index
      %swap3A_169 = tpu.vector_load %arg10[%swap3A] {strides = array<i32>} : memref<2048xi32, #tpu.memory_space<vmem>>, vector<16xi32>,
      tpu.vector_store %arg10[%swap3A], %add3A_168 {strides = array<i32>} : memref<2048xi32, #tpu.memory_space<vmem>>, vector<16xi32>,
      %add3A_170 = arith.addi %add3A_112, %select_n3A_103 : vector<16xi32>
      %swap3A_171 = arith.index_cast %add3A_167 : i32 to index
      %swap3A_172 = tpu.vector_load %arg10[%swap3A_171] {strides = array<i32>} : memref<2048xi32, #tpu.memory_space<vmem>>, vector<16xi32>,
      tpu.vector_store %arg10[%swap3A_171], %add3A_170 {strides = array<i32>} : memref<2048xi32, #tpu.memory_space<vmem>>, vector<16xi32>,
      %add3A_173 = arith.addi %add3A_115, %min3A_81 : vector<16xi32>
      %swap3A_174 = arith.index_cast %add3A_165 : i32 to index
      %swap3A_175 = tpu.vector_load %arg11[%swap3A_174] {strides = array<i32>} : memref<2048xi32, #tpu.memory_space<vmem>>, vector<16xi32>,
      tpu.vector_store %arg11[%swap3A_174], %add3A_173 {strides = array<i32>} : memref<2048xi32, #tpu.memory_space<vmem>>, vector<16xi32>,
      %add3A_176 = arith.addi %add3A_115, %select_n3A_103 : vector<16xi32>
      %swap3A_177 = arith.index_cast %add3A_167 : i32 to index
      %swap3A_178 = tpu.vector_load %arg11[%swap3A_177] {strides = array<i32>} : memref<2048xi32, #tpu.memory_space<vmem>>, vector<16xi32>,
      tpu.vector_store %arg11[%swap3A_177], %add3A_176 {strides = array<i32>} : memref<2048xi32, #tpu.memory_space<vmem>>, vector<16xi32>,
      %add3A_179 = arith.addi %add3A_118, %min3A_81 : vector<16xi32>
      %swap3A_180 = arith.index_cast %add3A_165 : i32 to index
      %swap3A_181 = tpu.vector_load %arg12[%swap3A_180] {strides = array<i32>} : memref<2048xi32, #tpu.memory_space<vmem>>, vector<16xi32>,
      tpu.vector_store %arg12[%swap3A_180], %add3A_179 {strides = array<i32>} : memref<2048xi32, #tpu.memory_space<vmem>>, vector<16xi32>,
      %add3A_182 = arith.addi %add3A_118, %select_n3A_103 : vector<16xi32>
      %swap3A_183 = arith.index_cast %add3A_167 : i32 to index
      %swap3A_184 = tpu.vector_load %arg12[%swap3A_183] {strides = array<i32>} : memref<2048xi32, #tpu.memory_space<vmem>>, vector<16xi32>,
      tpu.vector_store %arg12[%swap3A_183], %add3A_182 {strides = array<i32>} : memref<2048xi32, #tpu.memory_space<vmem>>, vector<16xi32>,
      %add3A_185 = arith.addi %add3A_121, %min3A_81 : vector<16xi32>
      %swap3A_186 = arith.index_cast %add3A_165 : i32 to index
      %swap3A_187 = tpu.vector_load %arg13[%swap3A_186] {strides = array<i32>} : memref<2048xi32, #tpu.memory_space<vmem>>, vector<16xi32>,
      tpu.vector_store %arg13[%swap3A_186], %add3A_185 {strides = array<i32>} : memref<2048xi32, #tpu.memory_space<vmem>>, vector<16xi32>,
      %add3A_188 = arith.addi %add3A_121, %select_n3A_103 : vector<16xi32>
      %swap3A_189 = arith.index_cast %add3A_167 : i32 to index
      %swap3A_190 = tpu.vector_load %arg13[%swap3A_189] {strides = array<i32>} : memref<2048xi32, #tpu.memory_space<vmem>>, vector<16xi32>,
      tpu.vector_store %arg13[%swap3A_189], %add3A_188 {strides = array<i32>} : memref<2048xi32, #tpu.memory_space<vmem>>, vector<16xi32>,
      %mul3A_191 = arith.mulf %sub3A_93, %sub3A_90 : vector<16xf32>
      %mul3A_192 = arith.mulf %mul3A_191, %sub3A_96 : vector<16xf32>
      %swap3A_193 = arith.index_cast %mul3A_57 : i32 to index
      %swap3A_194 = tpu.vector_load %arg27[%swap3A_193] {strides = array<i32>} : memref<1024xf32, #tpu.memory_space<vmem>>, vector<16xf32>,
      tpu.vector_store %arg27[%swap3A_193], %mul3A_192 {strides = array<i32>} : memref<1024xf32, #tpu.memory_space<vmem>>, vector<16xf32>,
      %mul3A_195 = arith.mulf %sub3A_93, %sub3A_90 : vector<16xf32>
      %mul3A_196 = arith.mulf %mul3A_195, %sub3A_87 : vector<16xf32>
      %swap3A_197 = arith.index_cast %mul3A_57 : i32 to index
      %swap3A_198 = tpu.vector_load %arg28[%swap3A_197] {strides = array<i32>} : memref<1024xf32, #tpu.memory_space<vmem>>, vector<16xf32>,
      tpu.vector_store %arg28[%swap3A_197], %mul3A_196 {strides = array<i32>} : memref<1024xf32, #tpu.memory_space<vmem>>, vector<16xf32>,
      %mul3A_199 = arith.mulf %sub3A_93, %sub3A_83 : vector<16xf32>
      %mul3A_200 = arith.mulf %mul3A_199, %sub3A_96 : vector<16xf32>
      %swap3A_201 = arith.index_cast %mul3A_57 : i32 to index
      %swap3A_202 = tpu.vector_load %arg29[%swap3A_201] {strides = array<i32>} : memref<1024xf32, #tpu.memory_space<vmem>>, vector<16xf32>,
      tpu.vector_store %arg29[%swap3A_201], %mul3A_200 {strides = array<i32>} : memref<1024xf32, #tpu.memory_space<vmem>>, vector<16xf32>,
      %mul3A_203 = arith.mulf %sub3A_93, %sub3A_83 : vector<16xf32>
      %mul3A_204 = arith.mulf %mul3A_203, %sub3A_87 : vector<16xf32>
      %swap3A_205 = arith.index_cast %mul3A_57 : i32 to index
      %swap3A_206 = tpu.vector_load %arg30[%swap3A_205] {strides = array<i32>} : memref<1024xf32, #tpu.memory_space<vmem>>, vector<16xf32>,
      tpu.vector_store %arg30[%swap3A_205], %mul3A_204 {strides = array<i32>} : memref<1024xf32, #tpu.memory_space<vmem>>, vector<16xf32>,
      %mul3A_207 = arith.mulf %sub3A_85, %sub3A_90 : vector<16xf32>
      %mul3A_208 = arith.mulf %mul3A_207, %sub3A_96 : vector<16xf32>
      %swap3A_209 = arith.index_cast %mul3A_57 : i32 to index
      %swap3A_210 = tpu.vector_load %arg31[%swap3A_209] {strides = array<i32>} : memref<1024xf32, #tpu.memory_space<vmem>>, vector<16xf32>,
      tpu.vector_store %arg31[%swap3A_209], %mul3A_208 {strides = array<i32>} : memref<1024xf32, #tpu.memory_space<vmem>>, vector<16xf32>,
      %mul3A_211 = arith.mulf %sub3A_85, %sub3A_90 : vector<16xf32>
      %mul3A_212 = arith.mulf %mul3A_211, %sub3A_87 : vector<16xf32>
      %swap3A_213 = arith.index_cast %mul3A_57 : i32 to index
      %swap3A_214 = tpu.vector_load %arg32[%swap3A_213] {strides = array<i32>} : memref<1024xf32, #tpu.memory_space<vmem>>, vector<16xf32>,
      tpu.vector_store %arg32[%swap3A_213], %mul3A_212 {strides = array<i32>} : memref<1024xf32, #tpu.memory_space<vmem>>, vector<16xf32>,
      %mul3A_215 = arith.mulf %sub3A_85, %sub3A_83 : vector<16xf32>
      %mul3A_216 = arith.mulf %mul3A_215, %sub3A_96 : vector<16xf32>
      %swap3A_217 = arith.index_cast %mul3A_57 : i32 to index
      %swap3A_218 = tpu.vector_load %arg33[%swap3A_217] {strides = array<i32>} : memref<1024xf32, #tpu.memory_space<vmem>>, vector<16xf32>,
      tpu.vector_store %arg33[%swap3A_217], %mul3A_216 {strides = array<i32>} : memref<1024xf32, #tpu.memory_space<vmem>>, vector<16xf32>,
      %mul3A_219 = arith.mulf %sub3A_85, %sub3A_83 : vector<16xf32>
      %mul3A_220 = arith.mulf %mul3A_219, %sub3A_87 : vector<16xf32>
      %swap3A_221 = arith.index_cast %mul3A_57 : i32 to index
      %swap3A_222 = tpu.vector_load %arg34[%swap3A_221] {strides = array<i32>} : memref<1024xf32, #tpu.memory_space<vmem>>, vector<16xf32>,
      tpu.vector_store %arg34[%swap3A_221], %mul3A_220 {strides = array<i32>} : memref<1024xf32, #tpu.memory_space<vmem>>, vector<16xf32>,
    }
    %scan3A_26 = arith.constant 64 : i32
    %dma_start3A = arith.constant 0 : i32
    %dma_start3A_27 = tpu.memref_slice %arg10[%dma_start3A] : memref<2048xi32, #tpu.memory_space<vmem>> -> memref<128xi32, #tpu.memory_space<vmem>>
    %dma_start3A_28 = arith.constant 0 : i32
    %dma_start3A_29 = arith.constant 0 : i32
    %dma_start3A_30 = tpu.memref_slice %arg7[%dma_start3A_28, %dma_start3A_29] : memref<524288x64xf32, #tpu.memory_space<hbm>> -> memref<524288x64xf32, #tpu.memory_space<hbm>>
    tpu.enqueue_indirect_dma source(%dma_start3A_30 : memref<524288x64xf32, #tpu.memory_space<hbm>>) target(%arg16 : memref<128x64xf32, #tpu.memory_space<vmem>>) offsets(%dma_start3A_27 : memref<128xi32, #tpu.memory_space<vmem>>) semaphore(%arg24 : memref<!tpu.dma_semaphore, #tpu.memory_space<semaphore_mem>>)
    %dma_start3A_31 = arith.constant 0 : i32
    %dma_start3A_32 = tpu.memref_slice %arg11[%dma_start3A_31] : memref<2048xi32, #tpu.memory_space<vmem>> -> memref<128xi32, #tpu.memory_space<vmem>>
    %dma_start3A_33 = arith.constant 0 : i32
    %dma_start3A_34 = arith.constant 0 : i32
    %dma_start3A_35 = tpu.memref_slice %arg7[%dma_start3A_33, %dma_start3A_34] : memref<524288x64xf32, #tpu.memory_space<hbm>> -> memref<524288x64xf32, #tpu.memory_space<hbm>>
    tpu.enqueue_indirect_dma source(%dma_start3A_35 : memref<524288x64xf32, #tpu.memory_space<hbm>>) target(%arg17 : memref<128x64xf32, #tpu.memory_space<vmem>>) offsets(%dma_start3A_32 : memref<128xi32, #tpu.memory_space<vmem>>) semaphore(%arg24 : memref<!tpu.dma_semaphore, #tpu.memory_space<semaphore_mem>>)
    %dma_start3A_36 = arith.constant 0 : i32
    %dma_start3A_37 = tpu.memref_slice %arg12[%dma_start3A_36] : memref<2048xi32, #tpu.memory_space<vmem>> -> memref<128xi32, #tpu.memory_space<vmem>>
    %dma_start3A_38 = arith.constant 0 : i32
    %dma_start3A_39 = arith.constant 0 : i32
    %dma_start3A_40 = tpu.memref_slice %arg7[%dma_start3A_38, %dma_start3A_39] : memref<524288x64xf32, #tpu.memory_space<hbm>> -> memref<524288x64xf32, #tpu.memory_space<hbm>>
    tpu.enqueue_indirect_dma source(%dma_start3A_40 : memref<524288x64xf32, #tpu.memory_space<hbm>>) target(%arg18 : memref<128x64xf32, #tpu.memory_space<vmem>>) offsets(%dma_start3A_37 : memref<128xi32, #tpu.memory_space<vmem>>) semaphore(%arg24 : memref<!tpu.dma_semaphore, #tpu.memory_space<semaphore_mem>>)
    %dma_start3A_41 = arith.constant 0 : i32
    %dma_start3A_42 = tpu.memref_slice %arg13[%dma_start3A_41] : memref<2048xi32, #tpu.memory_space<vmem>> -> memref<128xi32, #tpu.memory_space<vmem>>
    %dma_start3A_43 = arith.constant 0 : i32
    %dma_start3A_44 = arith.constant 0 : i32
    %dma_start3A_45 = tpu.memref_slice %arg7[%dma_start3A_43, %dma_start3A_44] : memref<524288x64xf32, #tpu.memory_space<hbm>> -> memref<524288x64xf32, #tpu.memory_space<hbm>>
    tpu.enqueue_indirect_dma source(%dma_start3A_45 : memref<524288x64xf32, #tpu.memory_space<hbm>>) target(%arg19 : memref<128x64xf32, #tpu.memory_space<vmem>>) offsets(%dma_start3A_42 : memref<128xi32, #tpu.memory_space<vmem>>) semaphore(%arg24 : memref<!tpu.dma_semaphore, #tpu.memory_space<semaphore_mem>>)
    %scan3A_46 = arith.constant 0 : i32
    %scan3A_47 = arith.constant 8 : i32
    %scan3A_48 = arith.addi %scan3A_46, %scan3A_47 : i32
    %scan3A_49 = arith.constant 1 : i32
    scf.for %scan3A_51 = %scan3A_46 to %scan3A_48 step %scan3A_49  : i32 {
      %mul3A_52 = arith.constant 1 : i32
      %mul3A_53 = arith.muli %scan3A_51, %mul3A_52 : i32
      %add3A_54 = arith.constant 0 : i32
      %add3A_55 = arith.addi %add3A_54, %mul3A_53 : i32
      %mul3A_56 = arith.constant 2 : i32
      %mul3A_57 = arith.muli %add3A_55, %mul3A_56 : i32
      %add3A_58 = arith.constant 1 : i32
      %add3A_59 = arith.addi %mul3A_57, %add3A_58 : i32
      %mul3A_60 = arith.constant 2 : i32
      %mul3A_61 = arith.muli %add3A_59, %mul3A_60 : i32
      %mul3A_62 = arith.constant 64 : i32
      %mul3A_63 = arith.muli %mul3A_61, %mul3A_62 : i32
      %dma_start3A_64 = tpu.memref_slice %arg10[%mul3A_63] : memref<2048xi32, #tpu.memory_space<vmem>> -> memref<128xi32, #tpu.memory_space<vmem>>
      %dma_start3A_65 = arith.constant 0 : i32
      %dma_start3A_66 = arith.constant 0 : i32
      %dma_start3A_67 = tpu.memref_slice %arg7[%dma_start3A_65, %dma_start3A_66] : memref<524288x64xf32, #tpu.memory_space<hbm>> -> memref<524288x64xf32, #tpu.memory_space<hbm>>
      tpu.enqueue_indirect_dma source(%dma_start3A_67 : memref<524288x64xf32, #tpu.memory_space<hbm>>) target(%arg20 : memref<128x64xf32, #tpu.memory_space<vmem>>) offsets(%dma_start3A_64 : memref<128xi32, #tpu.memory_space<vmem>>) semaphore(%arg25 : memref<!tpu.dma_semaphore, #tpu.memory_space<semaphore_mem>>)
      %mul3A_68 = arith.constant 2 : i32
      %mul3A_69 = arith.muli %add3A_59, %mul3A_68 : i32
      %mul3A_70 = arith.constant 64 : i32
      %mul3A_71 = arith.muli %mul3A_69, %mul3A_70 : i32
      %dma_start3A_72 = tpu.memref_slice %arg11[%mul3A_71] : memref<2048xi32, #tpu.memory_space<vmem>> -> memref<128xi32, #tpu.memory_space<vmem>>
      %dma_start3A_73 = arith.constant 0 : i32
      %dma_start3A_74 = arith.constant 0 : i32
      %dma_start3A_75 = tpu.memref_slice %arg7[%dma_start3A_73, %dma_start3A_74] : memref<524288x64xf32, #tpu.memory_space<hbm>> -> memref<524288x64xf32, #tpu.memory_space<hbm>>
      tpu.enqueue_indirect_dma source(%dma_start3A_75 : memref<524288x64xf32, #tpu.memory_space<hbm>>) target(%arg21 : memref<128x64xf32, #tpu.memory_space<vmem>>) offsets(%dma_start3A_72 : memref<128xi32, #tpu.memory_space<vmem>>) semaphore(%arg25 : memref<!tpu.dma_semaphore, #tpu.memory_space<semaphore_mem>>)
      %mul3A_76 = arith.constant 2 : i32
      %mul3A_77 = arith.muli %add3A_59, %mul3A_76 : i32
      %mul3A_78 = arith.constant 64 : i32
      %mul3A_79 = arith.muli %mul3A_77, %mul3A_78 : i32
      %dma_start3A_80 = tpu.memref_slice %arg12[%mul3A_79] : memref<2048xi32, #tpu.memory_space<vmem>> -> memref<128xi32, #tpu.memory_space<vmem>>
      %dma_start3A_81 = arith.constant 0 : i32
      %dma_start3A_82 = arith.constant 0 : i32
      %dma_start3A_83 = tpu.memref_slice %arg7[%dma_start3A_81, %dma_start3A_82] : memref<524288x64xf32, #tpu.memory_space<hbm>> -> memref<524288x64xf32, #tpu.memory_space<hbm>>
      tpu.enqueue_indirect_dma source(%dma_start3A_83 : memref<524288x64xf32, #tpu.memory_space<hbm>>) target(%arg22 : memref<128x64xf32, #tpu.memory_space<vmem>>) offsets(%dma_start3A_80 : memref<128xi32, #tpu.memory_space<vmem>>) semaphore(%arg25 : memref<!tpu.dma_semaphore, #tpu.memory_space<semaphore_mem>>)
      %mul3A_84 = arith.constant 2 : i32
      %mul3A_85 = arith.muli %add3A_59, %mul3A_84 : i32
      %mul3A_86 = arith.constant 64 : i32
      %mul3A_87 = arith.muli %mul3A_85, %mul3A_86 : i32
      %dma_start3A_88 = tpu.memref_slice %arg13[%mul3A_87] : memref<2048xi32, #tpu.memory_space<vmem>> -> memref<128xi32, #tpu.memory_space<vmem>>
      %dma_start3A_89 = arith.constant 0 : i32
      %dma_start3A_90 = arith.constant 0 : i32
      %dma_start3A_91 = tpu.memref_slice %arg7[%dma_start3A_89, %dma_start3A_90] : memref<524288x64xf32, #tpu.memory_space<hbm>> -> memref<524288x64xf32, #tpu.memory_space<hbm>>
      tpu.enqueue_indirect_dma source(%dma_start3A_91 : memref<524288x64xf32, #tpu.memory_space<hbm>>) target(%arg23 : memref<128x64xf32, #tpu.memory_space<vmem>>) offsets(%dma_start3A_88 : memref<128xi32, #tpu.memory_space<vmem>>) semaphore(%arg25 : memref<!tpu.dma_semaphore, #tpu.memory_space<semaphore_mem>>)
      %dma_wait3A = arith.constant 0 : i32
      %dma_wait3A_92 = arith.constant 0 : i32
      %dma_wait3A_93 = tpu.memref_slice %arg7[%dma_wait3A, %dma_wait3A_92] : memref<524288x64xf32, #tpu.memory_space<hbm>> -> memref<128x64xf32, #tpu.memory_space<hbm>>
      %dma_wait3A_94 = arith.constant 0 : i32
      %dma_wait3A_95 = arith.constant 0 : i32
      %dma_wait3A_96 = tpu.memref_slice %arg7[%dma_wait3A_94, %dma_wait3A_95] : memref<524288x64xf32, #tpu.memory_space<hbm>> -> memref<128x64xf32, #tpu.memory_space<hbm>>
      tpu.wait_dma2 semaphore(%arg24 : memref<!tpu.dma_semaphore, #tpu.memory_space<semaphore_mem>>) src(%dma_wait3A_96 : memref<128x64xf32, #tpu.memory_space<hbm>>) dst(%arg16 : memref<128x64xf32, #tpu.memory_space<vmem>>)
      %dma_wait3A_97 = arith.constant 0 : i32
      %dma_wait3A_98 = arith.constant 0 : i32
      %dma_wait3A_99 = tpu.memref_slice %arg7[%dma_wait3A_97, %dma_wait3A_98] : memref<524288x64xf32, #tpu.memory_space<hbm>> -> memref<128x64xf32, #tpu.memory_space<hbm>>
      %dma_wait3A_100 = arith.constant 0 : i32
      %dma_wait3A_101 = arith.constant 0 : i32
      %dma_wait3A_102 = tpu.memref_slice %arg7[%dma_wait3A_100, %dma_wait3A_101] : memref<524288x64xf32, #tpu.memory_space<hbm>> -> memref<128x64xf32, #tpu.memory_space<hbm>>
      tpu.wait_dma2 semaphore(%arg24 : memref<!tpu.dma_semaphore, #tpu.memory_space<semaphore_mem>>) src(%dma_wait3A_102 : memref<128x64xf32, #tpu.memory_space<hbm>>) dst(%arg17 : memref<128x64xf32, #tpu.memory_space<vmem>>)
      %dma_wait3A_103 = arith.constant 0 : i32
      %dma_wait3A_104 = arith.constant 0 : i32
      %dma_wait3A_105 = tpu.memref_slice %arg7[%dma_wait3A_103, %dma_wait3A_104] : memref<524288x64xf32, #tpu.memory_space<hbm>> -> memref<128x64xf32, #tpu.memory_space<hbm>>
      %dma_wait3A_106 = arith.constant 0 : i32
      %dma_wait3A_107 = arith.constant 0 : i32
      %dma_wait3A_108 = tpu.memref_slice %arg7[%dma_wait3A_106, %dma_wait3A_107] : memref<524288x64xf32, #tpu.memory_space<hbm>> -> memref<128x64xf32, #tpu.memory_space<hbm>>
      tpu.wait_dma2 semaphore(%arg24 : memref<!tpu.dma_semaphore, #tpu.memory_space<semaphore_mem>>) src(%dma_wait3A_108 : memref<128x64xf32, #tpu.memory_space<hbm>>) dst(%arg18 : memref<128x64xf32, #tpu.memory_space<vmem>>)
      %dma_wait3A_109 = arith.constant 0 : i32
      %dma_wait3A_110 = arith.constant 0 : i32
      %dma_wait3A_111 = tpu.memref_slice %arg7[%dma_wait3A_109, %dma_wait3A_110] : memref<524288x64xf32, #tpu.memory_space<hbm>> -> memref<128x64xf32, #tpu.memory_space<hbm>>
      %dma_wait3A_112 = arith.constant 0 : i32
      %dma_wait3A_113 = arith.constant 0 : i32
      %dma_wait3A_114 = tpu.memref_slice %arg7[%dma_wait3A_112, %dma_wait3A_113] : memref<524288x64xf32, #tpu.memory_space<hbm>> -> memref<128x64xf32, #tpu.memory_space<hbm>>
      tpu.wait_dma2 semaphore(%arg24 : memref<!tpu.dma_semaphore, #tpu.memory_space<semaphore_mem>>) src(%dma_wait3A_114 : memref<128x64xf32, #tpu.memory_space<hbm>>) dst(%arg19 : memref<128x64xf32, #tpu.memory_space<vmem>>)
      %scan3A_115 = arith.constant 0 : i32
      %scan3A_116 = arith.constant 4 : i32
      %scan3A_117 = arith.addi %scan3A_115, %scan3A_116 : i32
      %scan3A_118 = arith.constant 1 : i32
      scf.for %scan3A_153 = %scan3A_115 to %scan3A_117 step %scan3A_118  : i32 {
        %mul3A_154 = arith.constant 1 : i32
        %mul3A_155 = arith.muli %scan3A_153, %mul3A_154 : i32
        %add3A_156 = arith.constant 0 : i32
        %add3A_157 = arith.addi %add3A_156, %mul3A_155 : i32
        %mul3A_158 = arith.constant 64 : i32
        %mul3A_159 = arith.muli %mul3A_57, %mul3A_158 : i32
        %mul3A_160 = arith.constant 16 : i32
        %mul3A_161 = arith.muli %add3A_157, %mul3A_160 : i32
        %add3A_162 = arith.addi %mul3A_159, %mul3A_161 : i32
        %iota3A = tpu.iota {dimensions = array<i32: 0>} : vector<16xi32>
        %mul3A_163 = arith.constant 16 : i32
        %mul3A_164 = arith.muli %add3A_157, %mul3A_163 : i32
        %add3A_165 = vector.broadcast %mul3A_164 : i32 to vector<16xi32>
        %add3A_166 = arith.addi %iota3A, %add3A_165 : vector<16xi32>
        %get3A = arith.index_cast %add3A_162 : i32 to index
        %get3A_167 = tpu.vector_load %arg27[%get3A] {strides = array<i32>} : memref<1024xf32, #tpu.memory_space<vmem>>, vector<16xf32>,
        %get3A_168 = arith.index_cast %add3A_162 : i32 to index
        %get3A_169 = tpu.vector_load %arg28[%get3A_168] {strides = array<i32>} : memref<1024xf32, #tpu.memory_space<vmem>>, vector<16xf32>,
        %get3A_170 = arith.index_cast %add3A_162 : i32 to index
        %get3A_171 = tpu.vector_load %arg29[%get3A_170] {strides = array<i32>} : memref<1024xf32, #tpu.memory_space<vmem>>, vector<16xf32>,
        %get3A_172 = arith.index_cast %add3A_162 : i32 to index
        %get3A_173 = tpu.vector_load %arg30[%get3A_172] {strides = array<i32>} : memref<1024xf32, #tpu.memory_space<vmem>>, vector<16xf32>,
        %get3A_174 = arith.index_cast %add3A_162 : i32 to index
        %get3A_175 = tpu.vector_load %arg31[%get3A_174] {strides = array<i32>} : memref<1024xf32, #tpu.memory_space<vmem>>, vector<16xf32>,
        %get3A_176 = arith.index_cast %add3A_162 : i32 to index
        %get3A_177 = tpu.vector_load %arg32[%get3A_176] {strides = array<i32>} : memref<1024xf32, #tpu.memory_space<vmem>>, vector<16xf32>,
        %get3A_178 = arith.index_cast %add3A_162 : i32 to index
        %get3A_179 = tpu.vector_load %arg33[%get3A_178] {strides = array<i32>} : memref<1024xf32, #tpu.memory_space<vmem>>, vector<16xf32>,
        %get3A_180 = arith.index_cast %add3A_162 : i32 to index
        %get3A_181 = tpu.vector_load %arg34[%get3A_180] {strides = array<i32>} : memref<1024xf32, #tpu.memory_space<vmem>>, vector<16xf32>,
        %broadcast_in_dim3A = arith.constant 0.000000e+00 : f32
        %broadcast_in_dim3A_182 = vector.broadcast %broadcast_in_dim3A : f32 to vector<16xf32>
        %scan3A_183 = arith.constant 0 : i32
        %scan3A_184 = arith.constant 64 : i32
        %scan3A_185 = arith.addi %scan3A_183, %scan3A_184 : i32
        %scan3A_186 = arith.constant 4 : i32
        %scan3A_187 = scf.for %scan3A_196 = %scan3A_183 to %scan3A_185 step %scan3A_186 iter_args(%scan3A_197 = %broadcast_in_dim3A_182) -> (vector<16xf32>)  : i32 {
          %broadcast_in_dim3A_198 = vector.broadcast %scan3A_196 : i32 to vector<16xi32>
          %add3A_199 = arith.constant 0 : i32
          %add3A_200 = vector.broadcast %add3A_199 : i32 to vector<16xi32>
          %add3A_201 = arith.addi %add3A_166, %add3A_200 : vector<16xi32>
          %gather3A = tpu.vector_load_idx %arg16[%add3A_201, %broadcast_in_dim3A_198] : memref<128x64xf32, #tpu.memory_space<vmem>>[vector<16xi32>, vector<16xi32>], vector<16xf32>,
          %mul3A_202 = arith.mulf %gather3A, %get3A_167 : vector<16xf32>
          %add3A_203 = arith.constant 64 : i32
          %add3A_204 = vector.broadcast %add3A_203 : i32 to vector<16xi32>
          %add3A_205 = arith.addi %add3A_166, %add3A_204 : vector<16xi32>
          %gather3A_206 = tpu.vector_load_idx %arg16[%add3A_205, %broadcast_in_dim3A_198] : memref<128x64xf32, #tpu.memory_space<vmem>>[vector<16xi32>, vector<16xi32>], vector<16xf32>,
          %mul3A_207 = arith.mulf %gather3A_206, %get3A_169 : vector<16xf32>
          %add3A_208 = arith.addf %mul3A_202, %mul3A_207 : vector<16xf32>
          %add3A_209 = arith.constant 0 : i32
          %add3A_210 = vector.broadcast %add3A_209 : i32 to vector<16xi32>
          %add3A_211 = arith.addi %add3A_166, %add3A_210 : vector<16xi32>
          %gather3A_212 = tpu.vector_load_idx %arg17[%add3A_211, %broadcast_in_dim3A_198] : memref<128x64xf32, #tpu.memory_space<vmem>>[vector<16xi32>, vector<16xi32>], vector<16xf32>,
          %mul3A_213 = arith.mulf %gather3A_212, %get3A_171 : vector<16xf32>
          %add3A_214 = arith.addf %add3A_208, %mul3A_213 : vector<16xf32>
          %add3A_215 = arith.constant 64 : i32
          %add3A_216 = vector.broadcast %add3A_215 : i32 to vector<16xi32>
          %add3A_217 = arith.addi %add3A_166, %add3A_216 : vector<16xi32>
          %gather3A_218 = tpu.vector_load_idx %arg17[%add3A_217, %broadcast_in_dim3A_198] : memref<128x64xf32, #tpu.memory_space<vmem>>[vector<16xi32>, vector<16xi32>], vector<16xf32>,
          %mul3A_219 = arith.mulf %gather3A_218, %get3A_173 : vector<16xf32>
          %add3A_220 = arith.addf %add3A_214, %mul3A_219 : vector<16xf32>
          %add3A_221 = arith.constant 0 : i32
          %add3A_222 = vector.broadcast %add3A_221 : i32 to vector<16xi32>
          %add3A_223 = arith.addi %add3A_166, %add3A_222 : vector<16xi32>
          %gather3A_224 = tpu.vector_load_idx %arg18[%add3A_223, %broadcast_in_dim3A_198] : memref<128x64xf32, #tpu.memory_space<vmem>>[vector<16xi32>, vector<16xi32>], vector<16xf32>,
          %mul3A_225 = arith.mulf %gather3A_224, %get3A_175 : vector<16xf32>
          %add3A_226 = arith.addf %add3A_220, %mul3A_225 : vector<16xf32>
          %add3A_227 = arith.constant 64 : i32
          %add3A_228 = vector.broadcast %add3A_227 : i32 to vector<16xi32>
          %add3A_229 = arith.addi %add3A_166, %add3A_228 : vector<16xi32>
          %gather3A_230 = tpu.vector_load_idx %arg18[%add3A_229, %broadcast_in_dim3A_198] : memref<128x64xf32, #tpu.memory_space<vmem>>[vector<16xi32>, vector<16xi32>], vector<16xf32>,
          %mul3A_231 = arith.mulf %gather3A_230, %get3A_177 : vector<16xf32>
          %add3A_232 = arith.addf %add3A_226, %mul3A_231 : vector<16xf32>
          %add3A_233 = arith.constant 0 : i32
          %add3A_234 = vector.broadcast %add3A_233 : i32 to vector<16xi32>
          %add3A_235 = arith.addi %add3A_166, %add3A_234 : vector<16xi32>
          %gather3A_236 = tpu.vector_load_idx %arg19[%add3A_235, %broadcast_in_dim3A_198] : memref<128x64xf32, #tpu.memory_space<vmem>>[vector<16xi32>, vector<16xi32>], vector<16xf32>,
          %mul3A_237 = arith.mulf %gather3A_236, %get3A_179 : vector<16xf32>
          %add3A_238 = arith.addf %add3A_232, %mul3A_237 : vector<16xf32>
          %add3A_239 = arith.constant 64 : i32
          %add3A_240 = vector.broadcast %add3A_239 : i32 to vector<16xi32>
          %add3A_241 = arith.addi %add3A_166, %add3A_240 : vector<16xi32>
          %gather3A_242 = tpu.vector_load_idx %arg19[%add3A_241, %broadcast_in_dim3A_198] : memref<128x64xf32, #tpu.memory_space<vmem>>[vector<16xi32>, vector<16xi32>], vector<16xf32>,
          %mul3A_243 = arith.mulf %gather3A_242, %get3A_181 : vector<16xf32>
          %add3A_244 = arith.addf %add3A_238, %mul3A_243 : vector<16xf32>
          %gather3A_245 = tpu.vector_load_idx %arg15[%broadcast_in_dim3A_198] : memref<64xf32, #tpu.memory_space<vmem>>[vector<16xi32>], vector<16xf32>,
          %sub3A_246 = arith.subf %add3A_244, %gather3A_245 : vector<16xf32>
          %mul3A_247 = arith.mulf %sub3A_246, %sub3A_246 : vector<16xf32>
          %add3A_248 = arith.addf %scan3A_197, %mul3A_247 : vector<16xf32>
          %scan3A_249 = arith.constant 1 : i32
          %scan3A_250 = arith.addi %scan3A_196, %scan3A_249 : i32
          %broadcast_in_dim3A_251 = vector.broadcast %scan3A_250 : i32 to vector<16xi32>
          %add3A_252 = arith.constant 0 : i32
          %add3A_253 = vector.broadcast %add3A_252 : i32 to vector<16xi32>
          %add3A_254 = arith.addi %add3A_166, %add3A_253 : vector<16xi32>
          %gather3A_255 = tpu.vector_load_idx %arg16[%add3A_254, %broadcast_in_dim3A_251] : memref<128x64xf32, #tpu.memory_space<vmem>>[vector<16xi32>, vector<16xi32>], vector<16xf32>,
          %mul3A_256 = arith.mulf %gather3A_255, %get3A_167 : vector<16xf32>
          %add3A_257 = arith.constant 64 : i32
          %add3A_258 = vector.broadcast %add3A_257 : i32 to vector<16xi32>
          %add3A_259 = arith.addi %add3A_166, %add3A_258 : vector<16xi32>
          %gather3A_260 = tpu.vector_load_idx %arg16[%add3A_259, %broadcast_in_dim3A_251] : memref<128x64xf32, #tpu.memory_space<vmem>>[vector<16xi32>, vector<16xi32>], vector<16xf32>,
          %mul3A_261 = arith.mulf %gather3A_260, %get3A_169 : vector<16xf32>
          %add3A_262 = arith.addf %mul3A_256, %mul3A_261 : vector<16xf32>
          %add3A_263 = arith.constant 0 : i32
          %add3A_264 = vector.broadcast %add3A_263 : i32 to vector<16xi32>
          %add3A_265 = arith.addi %add3A_166, %add3A_264 : vector<16xi32>
          %gather3A_266 = tpu.vector_load_idx %arg17[%add3A_265, %broadcast_in_dim3A_251] : memref<128x64xf32, #tpu.memory_space<vmem>>[vector<16xi32>, vector<16xi32>], vector<16xf32>,
          %mul3A_267 = arith.mulf %gather3A_266, %get3A_171 : vector<16xf32>
          %add3A_268 = arith.addf %add3A_262, %mul3A_267 : vector<16xf32>
          %add3A_269 = arith.constant 64 : i32
          %add3A_270 = vector.broadcast %add3A_269 : i32 to vector<16xi32>
          %add3A_271 = arith.addi %add3A_166, %add3A_270 : vector<16xi32>
          %gather3A_272 = tpu.vector_load_idx %arg17[%add3A_271, %broadcast_in_dim3A_251] : memref<128x64xf32, #tpu.memory_space<vmem>>[vector<16xi32>, vector<16xi32>], vector<16xf32>,
          %mul3A_273 = arith.mulf %gather3A_272, %get3A_173 : vector<16xf32>
          %add3A_274 = arith.addf %add3A_268, %mul3A_273 : vector<16xf32>
          %add3A_275 = arith.constant 0 : i32
          %add3A_276 = vector.broadcast %add3A_275 : i32 to vector<16xi32>
          %add3A_277 = arith.addi %add3A_166, %add3A_276 : vector<16xi32>
          %gather3A_278 = tpu.vector_load_idx %arg18[%add3A_277, %broadcast_in_dim3A_251] : memref<128x64xf32, #tpu.memory_space<vmem>>[vector<16xi32>, vector<16xi32>], vector<16xf32>,
          %mul3A_279 = arith.mulf %gather3A_278, %get3A_175 : vector<16xf32>
          %add3A_280 = arith.addf %add3A_274, %mul3A_279 : vector<16xf32>
          %add3A_281 = arith.constant 64 : i32
          %add3A_282 = vector.broadcast %add3A_281 : i32 to vector<16xi32>
          %add3A_283 = arith.addi %add3A_166, %add3A_282 : vector<16xi32>
          %gather3A_284 = tpu.vector_load_idx %arg18[%add3A_283, %broadcast_in_dim3A_251] : memref<128x64xf32, #tpu.memory_space<vmem>>[vector<16xi32>, vector<16xi32>], vector<16xf32>,
          %mul3A_285 = arith.mulf %gather3A_284, %get3A_177 : vector<16xf32>
          %add3A_286 = arith.addf %add3A_280, %mul3A_285 : vector<16xf32>
          %add3A_287 = arith.constant 0 : i32
          %add3A_288 = vector.broadcast %add3A_287 : i32 to vector<16xi32>
          %add3A_289 = arith.addi %add3A_166, %add3A_288 : vector<16xi32>
          %gather3A_290 = tpu.vector_load_idx %arg19[%add3A_289, %broadcast_in_dim3A_251] : memref<128x64xf32, #tpu.memory_space<vmem>>[vector<16xi32>, vector<16xi32>], vector<16xf32>,
          %mul3A_291 = arith.mulf %gather3A_290, %get3A_179 : vector<16xf32>
          %add3A_292 = arith.addf %add3A_286, %mul3A_291 : vector<16xf32>
          %add3A_293 = arith.constant 64 : i32
          %add3A_294 = vector.broadcast %add3A_293 : i32 to vector<16xi32>
          %add3A_295 = arith.addi %add3A_166, %add3A_294 : vector<16xi32>
          %gather3A_296 = tpu.vector_load_idx %arg19[%add3A_295, %broadcast_in_dim3A_251] : memref<128x64xf32, #tpu.memory_space<vmem>>[vector<16xi32>, vector<16xi32>], vector<16xf32>,
          %mul3A_297 = arith.mulf %gather3A_296, %get3A_181 : vector<16xf32>
          %add3A_298 = arith.addf %add3A_292, %mul3A_297 : vector<16xf32>
          %gather3A_299 = tpu.vector_load_idx %arg15[%broadcast_in_dim3A_251] : memref<64xf32, #tpu.memory_space<vmem>>[vector<16xi32>], vector<16xf32>,
          %sub3A_300 = arith.subf %add3A_298, %gather3A_299 : vector<16xf32>
          %mul3A_301 = arith.mulf %sub3A_300, %sub3A_300 : vector<16xf32>
          %add3A_302 = arith.addf %add3A_248, %mul3A_301 : vector<16xf32>
          %scan3A_303 = arith.constant 2 : i32
          %scan3A_304 = arith.addi %scan3A_196, %scan3A_303 : i32
          %broadcast_in_dim3A_305 = vector.broadcast %scan3A_304 : i32 to vector<16xi32>
          %add3A_306 = arith.constant 0 : i32
          %add3A_307 = vector.broadcast %add3A_306 : i32 to vector<16xi32>
          %add3A_308 = arith.addi %add3A_166, %add3A_307 : vector<16xi32>
          %gather3A_309 = tpu.vector_load_idx %arg16[%add3A_308, %broadcast_in_dim3A_305] : memref<128x64xf32, #tpu.memory_space<vmem>>[vector<16xi32>, vector<16xi32>], vector<16xf32>,
          %mul3A_310 = arith.mulf %gather3A_309, %get3A_167 : vector<16xf32>
          %add3A_311 = arith.constant 64 : i32
          %add3A_312 = vector.broadcast %add3A_311 : i32 to vector<16xi32>
          %add3A_313 = arith.addi %add3A_166, %add3A_312 : vector<16xi32>
          %gather3A_314 = tpu.vector_load_idx %arg16[%add3A_313, %broadcast_in_dim3A_305] : memref<128x64xf32, #tpu.memory_space<vmem>>[vector<16xi32>, vector<16xi32>], vector<16xf32>,
          %mul3A_315 = arith.mulf %gather3A_314, %get3A_169 : vector<16xf32>
          %add3A_316 = arith.addf %mul3A_310, %mul3A_315 : vector<16xf32>
          %add3A_317 = arith.constant 0 : i32
          %add3A_318 = vector.broadcast %add3A_317 : i32 to vector<16xi32>
          %add3A_319 = arith.addi %add3A_166, %add3A_318 : vector<16xi32>
          %gather3A_320 = tpu.vector_load_idx %arg17[%add3A_319, %broadcast_in_dim3A_305] : memref<128x64xf32, #tpu.memory_space<vmem>>[vector<16xi32>, vector<16xi32>], vector<16xf32>,
          %mul3A_321 = arith.mulf %gather3A_320, %get3A_171 : vector<16xf32>
          %add3A_322 = arith.addf %add3A_316, %mul3A_321 : vector<16xf32>
          %add3A_323 = arith.constant 64 : i32
          %add3A_324 = vector.broadcast %add3A_323 : i32 to vector<16xi32>
          %add3A_325 = arith.addi %add3A_166, %add3A_324 : vector<16xi32>
          %gather3A_326 = tpu.vector_load_idx %arg17[%add3A_325, %broadcast_in_dim3A_305] : memref<128x64xf32, #tpu.memory_space<vmem>>[vector<16xi32>, vector<16xi32>], vector<16xf32>,
          %mul3A_327 = arith.mulf %gather3A_326, %get3A_173 : vector<16xf32>
          %add3A_328 = arith.addf %add3A_322, %mul3A_327 : vector<16xf32>
          %add3A_329 = arith.constant 0 : i32
          %add3A_330 = vector.broadcast %add3A_329 : i32 to vector<16xi32>
          %add3A_331 = arith.addi %add3A_166, %add3A_330 : vector<16xi32>
          %gather3A_332 = tpu.vector_load_idx %arg18[%add3A_331, %broadcast_in_dim3A_305] : memref<128x64xf32, #tpu.memory_space<vmem>>[vector<16xi32>, vector<16xi32>], vector<16xf32>,
          %mul3A_333 = arith.mulf %gather3A_332, %get3A_175 : vector<16xf32>
          %add3A_334 = arith.addf %add3A_328, %mul3A_333 : vector<16xf32>
          %add3A_335 = arith.constant 64 : i32
          %add3A_336 = vector.broadcast %add3A_335 : i32 to vector<16xi32>
          %add3A_337 = arith.addi %add3A_166, %add3A_336 : vector<16xi32>
          %gather3A_338 = tpu.vector_load_idx %arg18[%add3A_337, %broadcast_in_dim3A_305] : memref<128x64xf32, #tpu.memory_space<vmem>>[vector<16xi32>, vector<16xi32>], vector<16xf32>,
          %mul3A_339 = arith.mulf %gather3A_338, %get3A_177 : vector<16xf32>
          %add3A_340 = arith.addf %add3A_334, %mul3A_339 : vector<16xf32>
          %add3A_341 = arith.constant 0 : i32
          %add3A_342 = vector.broadcast %add3A_341 : i32 to vector<16xi32>
          %add3A_343 = arith.addi %add3A_166, %add3A_342 : vector<16xi32>
          %gather3A_344 = tpu.vector_load_idx %arg19[%add3A_343, %broadcast_in_dim3A_305] : memref<128x64xf32, #tpu.memory_space<vmem>>[vector<16xi32>, vector<16xi32>], vector<16xf32>,
          %mul3A_345 = arith.mulf %gather3A_344, %get3A_179 : vector<16xf32>
          %add3A_346 = arith.addf %add3A_340, %mul3A_345 : vector<16xf32>
          %add3A_347 = arith.constant 64 : i32
          %add3A_348 = vector.broadcast %add3A_347 : i32 to vector<16xi32>
          %add3A_349 = arith.addi %add3A_166, %add3A_348 : vector<16xi32>
          %gather3A_350 = tpu.vector_load_idx %arg19[%add3A_349, %broadcast_in_dim3A_305] : memref<128x64xf32, #tpu.memory_space<vmem>>[vector<16xi32>, vector<16xi32>], vector<16xf32>,
          %mul3A_351 = arith.mulf %gather3A_350, %get3A_181 : vector<16xf32>
          %add3A_352 = arith.addf %add3A_346, %mul3A_351 : vector<16xf32>
          %gather3A_353 = tpu.vector_load_idx %arg15[%broadcast_in_dim3A_305] : memref<64xf32, #tpu.memory_space<vmem>>[vector<16xi32>], vector<16xf32>,
          %sub3A_354 = arith.subf %add3A_352, %gather3A_353 : vector<16xf32>
          %mul3A_355 = arith.mulf %sub3A_354, %sub3A_354 : vector<16xf32>
          %add3A_356 = arith.addf %add3A_302, %mul3A_355 : vector<16xf32>
          %scan3A_357 = arith.constant 3 : i32
          %scan3A_358 = arith.addi %scan3A_196, %scan3A_357 : i32
          %broadcast_in_dim3A_359 = vector.broadcast %scan3A_358 : i32 to vector<16xi32>
          %add3A_360 = arith.constant 0 : i32
          %add3A_361 = vector.broadcast %add3A_360 : i32 to vector<16xi32>
          %add3A_362 = arith.addi %add3A_166, %add3A_361 : vector<16xi32>
          %gather3A_363 = tpu.vector_load_idx %arg16[%add3A_362, %broadcast_in_dim3A_359] : memref<128x64xf32, #tpu.memory_space<vmem>>[vector<16xi32>, vector<16xi32>], vector<16xf32>,
          %mul3A_364 = arith.mulf %gather3A_363, %get3A_167 : vector<16xf32>
          %add3A_365 = arith.constant 64 : i32
          %add3A_366 = vector.broadcast %add3A_365 : i32 to vector<16xi32>
          %add3A_367 = arith.addi %add3A_166, %add3A_366 : vector<16xi32>
          %gather3A_368 = tpu.vector_load_idx %arg16[%add3A_367, %broadcast_in_dim3A_359] : memref<128x64xf32, #tpu.memory_space<vmem>>[vector<16xi32>, vector<16xi32>], vector<16xf32>,
          %mul3A_369 = arith.mulf %gather3A_368, %get3A_169 : vector<16xf32>
          %add3A_370 = arith.addf %mul3A_364, %mul3A_369 : vector<16xf32>
          %add3A_371 = arith.constant 0 : i32
          %add3A_372 = vector.broadcast %add3A_371 : i32 to vector<16xi32>
          %add3A_373 = arith.addi %add3A_166, %add3A_372 : vector<16xi32>
          %gather3A_374 = tpu.vector_load_idx %arg17[%add3A_373, %broadcast_in_dim3A_359] : memref<128x64xf32, #tpu.memory_space<vmem>>[vector<16xi32>, vector<16xi32>], vector<16xf32>,
          %mul3A_375 = arith.mulf %gather3A_374, %get3A_171 : vector<16xf32>
          %add3A_376 = arith.addf %add3A_370, %mul3A_375 : vector<16xf32>
          %add3A_377 = arith.constant 64 : i32
          %add3A_378 = vector.broadcast %add3A_377 : i32 to vector<16xi32>
          %add3A_379 = arith.addi %add3A_166, %add3A_378 : vector<16xi32>
          %gather3A_380 = tpu.vector_load_idx %arg17[%add3A_379, %broadcast_in_dim3A_359] : memref<128x64xf32, #tpu.memory_space<vmem>>[vector<16xi32>, vector<16xi32>], vector<16xf32>,
          %mul3A_381 = arith.mulf %gather3A_380, %get3A_173 : vector<16xf32>
          %add3A_382 = arith.addf %add3A_376, %mul3A_381 : vector<16xf32>
          %add3A_383 = arith.constant 0 : i32
          %add3A_384 = vector.broadcast %add3A_383 : i32 to vector<16xi32>
          %add3A_385 = arith.addi %add3A_166, %add3A_384 : vector<16xi32>
          %gather3A_386 = tpu.vector_load_idx %arg18[%add3A_385, %broadcast_in_dim3A_359] : memref<128x64xf32, #tpu.memory_space<vmem>>[vector<16xi32>, vector<16xi32>], vector<16xf32>,
          %mul3A_387 = arith.mulf %gather3A_386, %get3A_175 : vector<16xf32>
          %add3A_388 = arith.addf %add3A_382, %mul3A_387 : vector<16xf32>
          %add3A_389 = arith.constant 64 : i32
          %add3A_390 = vector.broadcast %add3A_389 : i32 to vector<16xi32>
          %add3A_391 = arith.addi %add3A_166, %add3A_390 : vector<16xi32>
          %gather3A_392 = tpu.vector_load_idx %arg18[%add3A_391, %broadcast_in_dim3A_359] : memref<128x64xf32, #tpu.memory_space<vmem>>[vector<16xi32>, vector<16xi32>], vector<16xf32>,
          %mul3A_393 = arith.mulf %gather3A_392, %get3A_177 : vector<16xf32>
          %add3A_394 = arith.addf %add3A_388, %mul3A_393 : vector<16xf32>
          %add3A_395 = arith.constant 0 : i32
          %add3A_396 = vector.broadcast %add3A_395 : i32 to vector<16xi32>
          %add3A_397 = arith.addi %add3A_166, %add3A_396 : vector<16xi32>
          %gather3A_398 = tpu.vector_load_idx %arg19[%add3A_397, %broadcast_in_dim3A_359] : memref<128x64xf32, #tpu.memory_space<vmem>>[vector<16xi32>, vector<16xi32>], vector<16xf32>,
          %mul3A_399 = arith.mulf %gather3A_398, %get3A_179 : vector<16xf32>
          %add3A_400 = arith.addf %add3A_394, %mul3A_399 : vector<16xf32>
          %add3A_401 = arith.constant 64 : i32
          %add3A_402 = vector.broadcast %add3A_401 : i32 to vector<16xi32>
          %add3A_403 = arith.addi %add3A_166, %add3A_402 : vector<16xi32>
          %gather3A_404 = tpu.vector_load_idx %arg19[%add3A_403, %broadcast_in_dim3A_359] : memref<128x64xf32, #tpu.memory_space<vmem>>[vector<16xi32>, vector<16xi32>], vector<16xf32>,
          %mul3A_405 = arith.mulf %gather3A_404, %get3A_181 : vector<16xf32>
          %add3A_406 = arith.addf %add3A_400, %mul3A_405 : vector<16xf32>
          %gather3A_407 = tpu.vector_load_idx %arg15[%broadcast_in_dim3A_359] : memref<64xf32, #tpu.memory_space<vmem>>[vector<16xi32>], vector<16xf32>,
          %sub3A_408 = arith.subf %add3A_406, %gather3A_407 : vector<16xf32>
          %mul3A_409 = arith.mulf %sub3A_408, %sub3A_408 : vector<16xf32>
          %add3A_410 = arith.addf %add3A_356, %mul3A_409 : vector<16xf32>
          scf.yield %add3A_410 : vector<16xf32>
        }
        %scan3A_188 = arith.constant 64 : i32
        %get3A_189 = arith.index_cast %add3A_162 : i32 to index
        %get3A_190 = tpu.vector_load %arg14[%get3A_189] {strides = array<i32>} : memref<1024xf32, #tpu.memory_space<vmem>>, vector<16xf32>,
        %mul3A_191 = arith.constant 7.812500e-03 : f32
        %mul3A_192 = vector.broadcast %mul3A_191 : f32 to vector<16xf32>
        %mul3A_193 = arith.mulf %scan3A_187, %mul3A_192 : vector<16xf32>
        %sub3A_194 = arith.subf %get3A_190, %mul3A_193 : vector<16xf32>
        %exp3A = math.exp %sub3A_194 : vector<16xf32>
        %swap3A = arith.index_cast %add3A_162 : i32 to index
        %swap3A_195 = tpu.vector_load %arg26[%swap3A] {strides = array<i32>} : memref<1024xf32, #tpu.memory_space<vmem>>, vector<16xf32>,
        tpu.vector_store %arg26[%swap3A], %exp3A {strides = array<i32>} : memref<1024xf32, #tpu.memory_space<vmem>>, vector<16xf32>,
      }
      %scan3A_119 = arith.constant 4 : i32
      %lt3A = arith.constant 7 : i32
      %lt3A_120 = arith.cmpi slt, %add3A_55, %lt3A : i32
      %convert_element_type3A = arith.extui %lt3A_120 : i1 to i32
      %cond3A = arith.constant 0 : i32
      %cond3A_121 = arith.cmpi ne, %convert_element_type3A, %cond3A : i32
      scf.if %cond3A_121 {
        %add3A_153 = arith.constant 2 : i32
        %add3A_154 = arith.addi %mul3A_57, %add3A_153 : i32
        %mul3A_155 = arith.constant 2 : i32
        %mul3A_156 = arith.muli %add3A_154, %mul3A_155 : i32
        %mul3A_157 = arith.constant 64 : i32
        %mul3A_158 = arith.muli %mul3A_156, %mul3A_157 : i32
        %dma_start3A_159 = tpu.memref_slice %arg10[%mul3A_158] : memref<2048xi32, #tpu.memory_space<vmem>> -> memref<128xi32, #tpu.memory_space<vmem>>
        %dma_start3A_160 = arith.constant 0 : i32
        %dma_start3A_161 = arith.constant 0 : i32
        %dma_start3A_162 = tpu.memref_slice %arg7[%dma_start3A_160, %dma_start3A_161] : memref<524288x64xf32, #tpu.memory_space<hbm>> -> memref<524288x64xf32, #tpu.memory_space<hbm>>
        tpu.enqueue_indirect_dma source(%dma_start3A_162 : memref<524288x64xf32, #tpu.memory_space<hbm>>) target(%arg16 : memref<128x64xf32, #tpu.memory_space<vmem>>) offsets(%dma_start3A_159 : memref<128xi32, #tpu.memory_space<vmem>>) semaphore(%arg24 : memref<!tpu.dma_semaphore, #tpu.memory_space<semaphore_mem>>)
        %mul3A_163 = arith.constant 2 : i32
        %mul3A_164 = arith.muli %add3A_154, %mul3A_163 : i32
        %mul3A_165 = arith.constant 64 : i32
        %mul3A_166 = arith.muli %mul3A_164, %mul3A_165 : i32
        %dma_start3A_167 = tpu.memref_slice %arg11[%mul3A_166] : memref<2048xi32, #tpu.memory_space<vmem>> -> memref<128xi32, #tpu.memory_space<vmem>>
        %dma_start3A_168 = arith.constant 0 : i32
        %dma_start3A_169 = arith.constant 0 : i32
        %dma_start3A_170 = tpu.memref_slice %arg7[%dma_start3A_168, %dma_start3A_169] : memref<524288x64xf32, #tpu.memory_space<hbm>> -> memref<524288x64xf32, #tpu.memory_space<hbm>>
        tpu.enqueue_indirect_dma source(%dma_start3A_170 : memref<524288x64xf32, #tpu.memory_space<hbm>>) target(%arg17 : memref<128x64xf32, #tpu.memory_space<vmem>>) offsets(%dma_start3A_167 : memref<128xi32, #tpu.memory_space<vmem>>) semaphore(%arg24 : memref<!tpu.dma_semaphore, #tpu.memory_space<semaphore_mem>>)
        %mul3A_171 = arith.constant 2 : i32
        %mul3A_172 = arith.muli %add3A_154, %mul3A_171 : i32
        %mul3A_173 = arith.constant 64 : i32
        %mul3A_174 = arith.muli %mul3A_172, %mul3A_173 : i32
        %dma_start3A_175 = tpu.memref_slice %arg12[%mul3A_174] : memref<2048xi32, #tpu.memory_space<vmem>> -> memref<128xi32, #tpu.memory_space<vmem>>
        %dma_start3A_176 = arith.constant 0 : i32
        %dma_start3A_177 = arith.constant 0 : i32
        %dma_start3A_178 = tpu.memref_slice %arg7[%dma_start3A_176, %dma_start3A_177] : memref<524288x64xf32, #tpu.memory_space<hbm>> -> memref<524288x64xf32, #tpu.memory_space<hbm>>
        tpu.enqueue_indirect_dma source(%dma_start3A_178 : memref<524288x64xf32, #tpu.memory_space<hbm>>) target(%arg18 : memref<128x64xf32, #tpu.memory_space<vmem>>) offsets(%dma_start3A_175 : memref<128xi32, #tpu.memory_space<vmem>>) semaphore(%arg24 : memref<!tpu.dma_semaphore, #tpu.memory_space<semaphore_mem>>)
        %mul3A_179 = arith.constant 2 : i32
        %mul3A_180 = arith.muli %add3A_154, %mul3A_179 : i32
        %mul3A_181 = arith.constant 64 : i32
        %mul3A_182 = arith.muli %mul3A_180, %mul3A_181 : i32
        %dma_start3A_183 = tpu.memref_slice %arg13[%mul3A_182] : memref<2048xi32, #tpu.memory_space<vmem>> -> memref<128xi32, #tpu.memory_space<vmem>>
        %dma_start3A_184 = arith.constant 0 : i32
        %dma_start3A_185 = arith.constant 0 : i32
        %dma_start3A_186 = tpu.memref_slice %arg7[%dma_start3A_184, %dma_start3A_185] : memref<524288x64xf32, #tpu.memory_space<hbm>> -> memref<524288x64xf32, #tpu.memory_space<hbm>>
        tpu.enqueue_indirect_dma source(%dma_start3A_186 : memref<524288x64xf32, #tpu.memory_space<hbm>>) target(%arg19 : memref<128x64xf32, #tpu.memory_space<vmem>>) offsets(%dma_start3A_183 : memref<128xi32, #tpu.memory_space<vmem>>) semaphore(%arg24 : memref<!tpu.dma_semaphore, #tpu.memory_space<semaphore_mem>>)
      } else {
      }
      %dma_wait3A_122 = arith.constant 0 : i32
      %dma_wait3A_123 = arith.constant 0 : i32
      %dma_wait3A_124 = tpu.memref_slice %arg7[%dma_wait3A_122, %dma_wait3A_123] : memref<524288x64xf32, #tpu.memory_space<hbm>> -> memref<128x64xf32, #tpu.memory_space<hbm>>
      %dma_wait3A_125 = arith.constant 0 : i32
      %dma_wait3A_126 = arith.constant 0 : i32
      %dma_wait3A_127 = tpu.memref_slice %arg7[%dma_wait3A_125, %dma_wait3A_126] : memref<524288x64xf32, #tpu.memory_space<hbm>> -> memref<128x64xf32, #tpu.memory_space<hbm>>
      tpu.wait_dma2 semaphore(%arg25 : memref<!tpu.dma_semaphore, #tpu.memory_space<semaphore_mem>>) src(%dma_wait3A_127 : memref<128x64xf32, #tpu.memory_space<hbm>>) dst(%arg20 : memref<128x64xf32, #tpu.memory_space<vmem>>)
      %dma_wait3A_128 = arith.constant 0 : i32
      %dma_wait3A_129 = arith.constant 0 : i32
      %dma_wait3A_130 = tpu.memref_slice %arg7[%dma_wait3A_128, %dma_wait3A_129] : memref<524288x64xf32, #tpu.memory_space<hbm>> -> memref<128x64xf32, #tpu.memory_space<hbm>>
      %dma_wait3A_131 = arith.constant 0 : i32
      %dma_wait3A_132 = arith.constant 0 : i32
      %dma_wait3A_133 = tpu.memref_slice %arg7[%dma_wait3A_131, %dma_wait3A_132] : memref<524288x64xf32, #tpu.memory_space<hbm>> -> memref<128x64xf32, #tpu.memory_space<hbm>>
      tpu.wait_dma2 semaphore(%arg25 : memref<!tpu.dma_semaphore, #tpu.memory_space<semaphore_mem>>) src(%dma_wait3A_133 : memref<128x64xf32, #tpu.memory_space<hbm>>) dst(%arg21 : memref<128x64xf32, #tpu.memory_space<vmem>>)
      %dma_wait3A_134 = arith.constant 0 : i32
      %dma_wait3A_135 = arith.constant 0 : i32
      %dma_wait3A_136 = tpu.memref_slice %arg7[%dma_wait3A_134, %dma_wait3A_135] : memref<524288x64xf32, #tpu.memory_space<hbm>> -> memref<128x64xf32, #tpu.memory_space<hbm>>
      %dma_wait3A_137 = arith.constant 0 : i32
      %dma_wait3A_138 = arith.constant 0 : i32
      %dma_wait3A_139 = tpu.memref_slice %arg7[%dma_wait3A_137, %dma_wait3A_138] : memref<524288x64xf32, #tpu.memory_space<hbm>> -> memref<128x64xf32, #tpu.memory_space<hbm>>
      tpu.wait_dma2 semaphore(%arg25 : memref<!tpu.dma_semaphore, #tpu.memory_space<semaphore_mem>>) src(%dma_wait3A_139 : memref<128x64xf32, #tpu.memory_space<hbm>>) dst(%arg22 : memref<128x64xf32, #tpu.memory_space<vmem>>)
      %dma_wait3A_140 = arith.constant 0 : i32
      %dma_wait3A_141 = arith.constant 0 : i32
      %dma_wait3A_142 = tpu.memref_slice %arg7[%dma_wait3A_140, %dma_wait3A_141] : memref<524288x64xf32, #tpu.memory_space<hbm>> -> memref<128x64xf32, #tpu.memory_space<hbm>>
      %dma_wait3A_143 = arith.constant 0 : i32
      %dma_wait3A_144 = arith.constant 0 : i32
      %dma_wait3A_145 = tpu.memref_slice %arg7[%dma_wait3A_143, %dma_wait3A_144] : memref<524288x64xf32, #tpu.memory_space<hbm>> -> memref<128x64xf32, #tpu.memory_space<hbm>>
      tpu.wait_dma2 semaphore(%arg25 : memref<!tpu.dma_semaphore, #tpu.memory_space<semaphore_mem>>) src(%dma_wait3A_145 : memref<128x64xf32, #tpu.memory_space<hbm>>) dst(%arg23 : memref<128x64xf32, #tpu.memory_space<vmem>>)
      %add3A_146 = arith.constant 1 : i32
      %add3A_147 = arith.addi %mul3A_57, %add3A_146 : i32
      %scan3A_148 = arith.constant 0 : i32
      %scan3A_149 = arith.constant 4 : i32
      %scan3A_150 = arith.addi %scan3A_148, %scan3A_149 : i32
      %scan3A_151 = arith.constant 1 : i32
      scf.for %scan3A_153 = %scan3A_148 to %scan3A_150 step %scan3A_151  : i32 {
        %mul3A_154 = arith.constant 1 : i32
        %mul3A_155 = arith.muli %scan3A_153, %mul3A_154 : i32
        %add3A_156 = arith.constant 0 : i32
        %add3A_157 = arith.addi %add3A_156, %mul3A_155 : i32
        %mul3A_158 = arith.constant 64 : i32
        %mul3A_159 = arith.muli %add3A_147, %mul3A_158 : i32
        %mul3A_160 = arith.constant 16 : i32
        %mul3A_161 = arith.muli %add3A_157, %mul3A_160 : i32
        %add3A_162 = arith.addi %mul3A_159, %mul3A_161 : i32
        %iota3A = tpu.iota {dimensions = array<i32: 0>} : vector<16xi32>
        %mul3A_163 = arith.constant 16 : i32
        %mul3A_164 = arith.muli %add3A_157, %mul3A_163 : i32
        %add3A_165 = vector.broadcast %mul3A_164 : i32 to vector<16xi32>
        %add3A_166 = arith.addi %iota3A, %add3A_165 : vector<16xi32>
        %get3A = arith.index_cast %add3A_162 : i32 to index
        %get3A_167 = tpu.vector_load %arg27[%get3A] {strides = array<i32>} : memref<1024xf32, #tpu.memory_space<vmem>>, vector<16xf32>,
        %get3A_168 = arith.index_cast %add3A_162 : i32 to index
        %get3A_169 = tpu.vector_load %arg28[%get3A_168] {strides = array<i32>} : memref<1024xf32, #tpu.memory_space<vmem>>, vector<16xf32>,
        %get3A_170 = arith.index_cast %add3A_162 : i32 to index
        %get3A_171 = tpu.vector_load %arg29[%get3A_170] {strides = array<i32>} : memref<1024xf32, #tpu.memory_space<vmem>>, vector<16xf32>,
        %get3A_172 = arith.index_cast %add3A_162 : i32 to index
        %get3A_173 = tpu.vector_load %arg30[%get3A_172] {strides = array<i32>} : memref<1024xf32, #tpu.memory_space<vmem>>, vector<16xf32>,
        %get3A_174 = arith.index_cast %add3A_162 : i32 to index
        %get3A_175 = tpu.vector_load %arg31[%get3A_174] {strides = array<i32>} : memref<1024xf32, #tpu.memory_space<vmem>>, vector<16xf32>,
        %get3A_176 = arith.index_cast %add3A_162 : i32 to index
        %get3A_177 = tpu.vector_load %arg32[%get3A_176] {strides = array<i32>} : memref<1024xf32, #tpu.memory_space<vmem>>, vector<16xf32>,
        %get3A_178 = arith.index_cast %add3A_162 : i32 to index
        %get3A_179 = tpu.vector_load %arg33[%get3A_178] {strides = array<i32>} : memref<1024xf32, #tpu.memory_space<vmem>>, vector<16xf32>,
        %get3A_180 = arith.index_cast %add3A_162 : i32 to index
        %get3A_181 = tpu.vector_load %arg34[%get3A_180] {strides = array<i32>} : memref<1024xf32, #tpu.memory_space<vmem>>, vector<16xf32>,
        %broadcast_in_dim3A = arith.constant 0.000000e+00 : f32
        %broadcast_in_dim3A_182 = vector.broadcast %broadcast_in_dim3A : f32 to vector<16xf32>
        %scan3A_183 = arith.constant 0 : i32
        %scan3A_184 = arith.constant 64 : i32
        %scan3A_185 = arith.addi %scan3A_183, %scan3A_184 : i32
        %scan3A_186 = arith.constant 4 : i32
        %scan3A_187 = scf.for %scan3A_196 = %scan3A_183 to %scan3A_185 step %scan3A_186 iter_args(%scan3A_197 = %broadcast_in_dim3A_182) -> (vector<16xf32>)  : i32 {
          %broadcast_in_dim3A_198 = vector.broadcast %scan3A_196 : i32 to vector<16xi32>
          %add3A_199 = arith.constant 0 : i32
          %add3A_200 = vector.broadcast %add3A_199 : i32 to vector<16xi32>
          %add3A_201 = arith.addi %add3A_166, %add3A_200 : vector<16xi32>
          %gather3A = tpu.vector_load_idx %arg20[%add3A_201, %broadcast_in_dim3A_198] : memref<128x64xf32, #tpu.memory_space<vmem>>[vector<16xi32>, vector<16xi32>], vector<16xf32>,
          %mul3A_202 = arith.mulf %gather3A, %get3A_167 : vector<16xf32>
          %add3A_203 = arith.constant 64 : i32
          %add3A_204 = vector.broadcast %add3A_203 : i32 to vector<16xi32>
          %add3A_205 = arith.addi %add3A_166, %add3A_204 : vector<16xi32>
          %gather3A_206 = tpu.vector_load_idx %arg20[%add3A_205, %broadcast_in_dim3A_198] : memref<128x64xf32, #tpu.memory_space<vmem>>[vector<16xi32>, vector<16xi32>], vector<16xf32>,
          %mul3A_207 = arith.mulf %gather3A_206, %get3A_169 : vector<16xf32>
          %add3A_208 = arith.addf %mul3A_202, %mul3A_207 : vector<16xf32>
          %add3A_209 = arith.constant 0 : i32
          %add3A_210 = vector.broadcast %add3A_209 : i32 to vector<16xi32>
          %add3A_211 = arith.addi %add3A_166, %add3A_210 : vector<16xi32>
          %gather3A_212 = tpu.vector_load_idx %arg21[%add3A_211, %broadcast_in_dim3A_198] : memref<128x64xf32, #tpu.memory_space<vmem>>[vector<16xi32>, vector<16xi32>], vector<16xf32>,
          %mul3A_213 = arith.mulf %gather3A_212, %get3A_171 : vector<16xf32>
          %add3A_214 = arith.addf %add3A_208, %mul3A_213 : vector<16xf32>
          %add3A_215 = arith.constant 64 : i32
          %add3A_216 = vector.broadcast %add3A_215 : i32 to vector<16xi32>
          %add3A_217 = arith.addi %add3A_166, %add3A_216 : vector<16xi32>
          %gather3A_218 = tpu.vector_load_idx %arg21[%add3A_217, %broadcast_in_dim3A_198] : memref<128x64xf32, #tpu.memory_space<vmem>>[vector<16xi32>, vector<16xi32>], vector<16xf32>,
          %mul3A_219 = arith.mulf %gather3A_218, %get3A_173 : vector<16xf32>
          %add3A_220 = arith.addf %add3A_214, %mul3A_219 : vector<16xf32>
          %add3A_221 = arith.constant 0 : i32
          %add3A_222 = vector.broadcast %add3A_221 : i32 to vector<16xi32>
          %add3A_223 = arith.addi %add3A_166, %add3A_222 : vector<16xi32>
          %gather3A_224 = tpu.vector_load_idx %arg22[%add3A_223, %broadcast_in_dim3A_198] : memref<128x64xf32, #tpu.memory_space<vmem>>[vector<16xi32>, vector<16xi32>], vector<16xf32>,
          %mul3A_225 = arith.mulf %gather3A_224, %get3A_175 : vector<16xf32>
          %add3A_226 = arith.addf %add3A_220, %mul3A_225 : vector<16xf32>
          %add3A_227 = arith.constant 64 : i32
          %add3A_228 = vector.broadcast %add3A_227 : i32 to vector<16xi32>
          %add3A_229 = arith.addi %add3A_166, %add3A_228 : vector<16xi32>
          %gather3A_230 = tpu.vector_load_idx %arg22[%add3A_229, %broadcast_in_dim3A_198] : memref<128x64xf32, #tpu.memory_space<vmem>>[vector<16xi32>, vector<16xi32>], vector<16xf32>,
          %mul3A_231 = arith.mulf %gather3A_230, %get3A_177 : vector<16xf32>
          %add3A_232 = arith.addf %add3A_226, %mul3A_231 : vector<16xf32>
          %add3A_233 = arith.constant 0 : i32
          %add3A_234 = vector.broadcast %add3A_233 : i32 to vector<16xi32>
          %add3A_235 = arith.addi %add3A_166, %add3A_234 : vector<16xi32>
          %gather3A_236 = tpu.vector_load_idx %arg23[%add3A_235, %broadcast_in_dim3A_198] : memref<128x64xf32, #tpu.memory_space<vmem>>[vector<16xi32>, vector<16xi32>], vector<16xf32>,
          %mul3A_237 = arith.mulf %gather3A_236, %get3A_179 : vector<16xf32>
          %add3A_238 = arith.addf %add3A_232, %mul3A_237 : vector<16xf32>
          %add3A_239 = arith.constant 64 : i32
          %add3A_240 = vector.broadcast %add3A_239 : i32 to vector<16xi32>
          %add3A_241 = arith.addi %add3A_166, %add3A_240 : vector<16xi32>
          %gather3A_242 = tpu.vector_load_idx %arg23[%add3A_241, %broadcast_in_dim3A_198] : memref<128x64xf32, #tpu.memory_space<vmem>>[vector<16xi32>, vector<16xi32>], vector<16xf32>,
          %mul3A_243 = arith.mulf %gather3A_242, %get3A_181 : vector<16xf32>
          %add3A_244 = arith.addf %add3A_238, %mul3A_243 : vector<16xf32>
          %gather3A_245 = tpu.vector_load_idx %arg15[%broadcast_in_dim3A_198] : memref<64xf32, #tpu.memory_space<vmem>>[vector<16xi32>], vector<16xf32>,
          %sub3A_246 = arith.subf %add3A_244, %gather3A_245 : vector<16xf32>
          %mul3A_247 = arith.mulf %sub3A_246, %sub3A_246 : vector<16xf32>
          %add3A_248 = arith.addf %scan3A_197, %mul3A_247 : vector<16xf32>
          %scan3A_249 = arith.constant 1 : i32
          %scan3A_250 = arith.addi %scan3A_196, %scan3A_249 : i32
          %broadcast_in_dim3A_251 = vector.broadcast %scan3A_250 : i32 to vector<16xi32>
          %add3A_252 = arith.constant 0 : i32
          %add3A_253 = vector.broadcast %add3A_252 : i32 to vector<16xi32>
          %add3A_254 = arith.addi %add3A_166, %add3A_253 : vector<16xi32>
          %gather3A_255 = tpu.vector_load_idx %arg20[%add3A_254, %broadcast_in_dim3A_251] : memref<128x64xf32, #tpu.memory_space<vmem>>[vector<16xi32>, vector<16xi32>], vector<16xf32>,
          %mul3A_256 = arith.mulf %gather3A_255, %get3A_167 : vector<16xf32>
          %add3A_257 = arith.constant 64 : i32
          %add3A_258 = vector.broadcast %add3A_257 : i32 to vector<16xi32>
          %add3A_259 = arith.addi %add3A_166, %add3A_258 : vector<16xi32>
          %gather3A_260 = tpu.vector_load_idx %arg20[%add3A_259, %broadcast_in_dim3A_251] : memref<128x64xf32, #tpu.memory_space<vmem>>[vector<16xi32>, vector<16xi32>], vector<16xf32>,
          %mul3A_261 = arith.mulf %gather3A_260, %get3A_169 : vector<16xf32>
          %add3A_262 = arith.addf %mul3A_256, %mul3A_261 : vector<16xf32>
          %add3A_263 = arith.constant 0 : i32
          %add3A_264 = vector.broadcast %add3A_263 : i32 to vector<16xi32>
          %add3A_265 = arith.addi %add3A_166, %add3A_264 : vector<16xi32>
          %gather3A_266 = tpu.vector_load_idx %arg21[%add3A_265, %broadcast_in_dim3A_251] : memref<128x64xf32, #tpu.memory_space<vmem>>[vector<16xi32>, vector<16xi32>], vector<16xf32>,
          %mul3A_267 = arith.mulf %gather3A_266, %get3A_171 : vector<16xf32>
          %add3A_268 = arith.addf %add3A_262, %mul3A_267 : vector<16xf32>
          %add3A_269 = arith.constant 64 : i32
          %add3A_270 = vector.broadcast %add3A_269 : i32 to vector<16xi32>
          %add3A_271 = arith.addi %add3A_166, %add3A_270 : vector<16xi32>
          %gather3A_272 = tpu.vector_load_idx %arg21[%add3A_271, %broadcast_in_dim3A_251] : memref<128x64xf32, #tpu.memory_space<vmem>>[vector<16xi32>, vector<16xi32>], vector<16xf32>,
          %mul3A_273 = arith.mulf %gather3A_272, %get3A_173 : vector<16xf32>
          %add3A_274 = arith.addf %add3A_268, %mul3A_273 : vector<16xf32>
          %add3A_275 = arith.constant 0 : i32
          %add3A_276 = vector.broadcast %add3A_275 : i32 to vector<16xi32>
          %add3A_277 = arith.addi %add3A_166, %add3A_276 : vector<16xi32>
          %gather3A_278 = tpu.vector_load_idx %arg22[%add3A_277, %broadcast_in_dim3A_251] : memref<128x64xf32, #tpu.memory_space<vmem>>[vector<16xi32>, vector<16xi32>], vector<16xf32>,
          %mul3A_279 = arith.mulf %gather3A_278, %get3A_175 : vector<16xf32>
          %add3A_280 = arith.addf %add3A_274, %mul3A_279 : vector<16xf32>
          %add3A_281 = arith.constant 64 : i32
          %add3A_282 = vector.broadcast %add3A_281 : i32 to vector<16xi32>
          %add3A_283 = arith.addi %add3A_166, %add3A_282 : vector<16xi32>
          %gather3A_284 = tpu.vector_load_idx %arg22[%add3A_283, %broadcast_in_dim3A_251] : memref<128x64xf32, #tpu.memory_space<vmem>>[vector<16xi32>, vector<16xi32>], vector<16xf32>,
          %mul3A_285 = arith.mulf %gather3A_284, %get3A_177 : vector<16xf32>
          %add3A_286 = arith.addf %add3A_280, %mul3A_285 : vector<16xf32>
          %add3A_287 = arith.constant 0 : i32
          %add3A_288 = vector.broadcast %add3A_287 : i32 to vector<16xi32>
          %add3A_289 = arith.addi %add3A_166, %add3A_288 : vector<16xi32>
          %gather3A_290 = tpu.vector_load_idx %arg23[%add3A_289, %broadcast_in_dim3A_251] : memref<128x64xf32, #tpu.memory_space<vmem>>[vector<16xi32>, vector<16xi32>], vector<16xf32>,
          %mul3A_291 = arith.mulf %gather3A_290, %get3A_179 : vector<16xf32>
          %add3A_292 = arith.addf %add3A_286, %mul3A_291 : vector<16xf32>
          %add3A_293 = arith.constant 64 : i32
          %add3A_294 = vector.broadcast %add3A_293 : i32 to vector<16xi32>
          %add3A_295 = arith.addi %add3A_166, %add3A_294 : vector<16xi32>
          %gather3A_296 = tpu.vector_load_idx %arg23[%add3A_295, %broadcast_in_dim3A_251] : memref<128x64xf32, #tpu.memory_space<vmem>>[vector<16xi32>, vector<16xi32>], vector<16xf32>,
          %mul3A_297 = arith.mulf %gather3A_296, %get3A_181 : vector<16xf32>
          %add3A_298 = arith.addf %add3A_292, %mul3A_297 : vector<16xf32>
          %gather3A_299 = tpu.vector_load_idx %arg15[%broadcast_in_dim3A_251] : memref<64xf32, #tpu.memory_space<vmem>>[vector<16xi32>], vector<16xf32>,
          %sub3A_300 = arith.subf %add3A_298, %gather3A_299 : vector<16xf32>
          %mul3A_301 = arith.mulf %sub3A_300, %sub3A_300 : vector<16xf32>
          %add3A_302 = arith.addf %add3A_248, %mul3A_301 : vector<16xf32>
          %scan3A_303 = arith.constant 2 : i32
          %scan3A_304 = arith.addi %scan3A_196, %scan3A_303 : i32
          %broadcast_in_dim3A_305 = vector.broadcast %scan3A_304 : i32 to vector<16xi32>
          %add3A_306 = arith.constant 0 : i32
          %add3A_307 = vector.broadcast %add3A_306 : i32 to vector<16xi32>
          %add3A_308 = arith.addi %add3A_166, %add3A_307 : vector<16xi32>
          %gather3A_309 = tpu.vector_load_idx %arg20[%add3A_308, %broadcast_in_dim3A_305] : memref<128x64xf32, #tpu.memory_space<vmem>>[vector<16xi32>, vector<16xi32>], vector<16xf32>,
          %mul3A_310 = arith.mulf %gather3A_309, %get3A_167 : vector<16xf32>
          %add3A_311 = arith.constant 64 : i32
          %add3A_312 = vector.broadcast %add3A_311 : i32 to vector<16xi32>
          %add3A_313 = arith.addi %add3A_166, %add3A_312 : vector<16xi32>
          %gather3A_314 = tpu.vector_load_idx %arg20[%add3A_313, %broadcast_in_dim3A_305] : memref<128x64xf32, #tpu.memory_space<vmem>>[vector<16xi32>, vector<16xi32>], vector<16xf32>,
          %mul3A_315 = arith.mulf %gather3A_314, %get3A_169 : vector<16xf32>
          %add3A_316 = arith.addf %mul3A_310, %mul3A_315 : vector<16xf32>
          %add3A_317 = arith.constant 0 : i32
          %add3A_318 = vector.broadcast %add3A_317 : i32 to vector<16xi32>
          %add3A_319 = arith.addi %add3A_166, %add3A_318 : vector<16xi32>
          %gather3A_320 = tpu.vector_load_idx %arg21[%add3A_319, %broadcast_in_dim3A_305] : memref<128x64xf32, #tpu.memory_space<vmem>>[vector<16xi32>, vector<16xi32>], vector<16xf32>,
          %mul3A_321 = arith.mulf %gather3A_320, %get3A_171 : vector<16xf32>
          %add3A_322 = arith.addf %add3A_316, %mul3A_321 : vector<16xf32>
          %add3A_323 = arith.constant 64 : i32
          %add3A_324 = vector.broadcast %add3A_323 : i32 to vector<16xi32>
          %add3A_325 = arith.addi %add3A_166, %add3A_324 : vector<16xi32>
          %gather3A_326 = tpu.vector_load_idx %arg21[%add3A_325, %broadcast_in_dim3A_305] : memref<128x64xf32, #tpu.memory_space<vmem>>[vector<16xi32>, vector<16xi32>], vector<16xf32>,
          %mul3A_327 = arith.mulf %gather3A_326, %get3A_173 : vector<16xf32>
          %add3A_328 = arith.addf %add3A_322, %mul3A_327 : vector<16xf32>
          %add3A_329 = arith.constant 0 : i32
          %add3A_330 = vector.broadcast %add3A_329 : i32 to vector<16xi32>
          %add3A_331 = arith.addi %add3A_166, %add3A_330 : vector<16xi32>
          %gather3A_332 = tpu.vector_load_idx %arg22[%add3A_331, %broadcast_in_dim3A_305] : memref<128x64xf32, #tpu.memory_space<vmem>>[vector<16xi32>, vector<16xi32>], vector<16xf32>,
          %mul3A_333 = arith.mulf %gather3A_332, %get3A_175 : vector<16xf32>
          %add3A_334 = arith.addf %add3A_328, %mul3A_333 : vector<16xf32>
          %add3A_335 = arith.constant 64 : i32
          %add3A_336 = vector.broadcast %add3A_335 : i32 to vector<16xi32>
          %add3A_337 = arith.addi %add3A_166, %add3A_336 : vector<16xi32>
          %gather3A_338 = tpu.vector_load_idx %arg22[%add3A_337, %broadcast_in_dim3A_305] : memref<128x64xf32, #tpu.memory_space<vmem>>[vector<16xi32>, vector<16xi32>], vector<16xf32>,
          %mul3A_339 = arith.mulf %gather3A_338, %get3A_177 : vector<16xf32>
          %add3A_340 = arith.addf %add3A_334, %mul3A_339 : vector<16xf32>
          %add3A_341 = arith.constant 0 : i32
          %add3A_342 = vector.broadcast %add3A_341 : i32 to vector<16xi32>
          %add3A_343 = arith.addi %add3A_166, %add3A_342 : vector<16xi32>
          %gather3A_344 = tpu.vector_load_idx %arg23[%add3A_343, %broadcast_in_dim3A_305] : memref<128x64xf32, #tpu.memory_space<vmem>>[vector<16xi32>, vector<16xi32>], vector<16xf32>,
          %mul3A_345 = arith.mulf %gather3A_344, %get3A_179 : vector<16xf32>
          %add3A_346 = arith.addf %add3A_340, %mul3A_345 : vector<16xf32>
          %add3A_347 = arith.constant 64 : i32
          %add3A_348 = vector.broadcast %add3A_347 : i32 to vector<16xi32>
          %add3A_349 = arith.addi %add3A_166, %add3A_348 : vector<16xi32>
          %gather3A_350 = tpu.vector_load_idx %arg23[%add3A_349, %broadcast_in_dim3A_305] : memref<128x64xf32, #tpu.memory_space<vmem>>[vector<16xi32>, vector<16xi32>], vector<16xf32>,
          %mul3A_351 = arith.mulf %gather3A_350, %get3A_181 : vector<16xf32>
          %add3A_352 = arith.addf %add3A_346, %mul3A_351 : vector<16xf32>
          %gather3A_353 = tpu.vector_load_idx %arg15[%broadcast_in_dim3A_305] : memref<64xf32, #tpu.memory_space<vmem>>[vector<16xi32>], vector<16xf32>,
          %sub3A_354 = arith.subf %add3A_352, %gather3A_353 : vector<16xf32>
          %mul3A_355 = arith.mulf %sub3A_354, %sub3A_354 : vector<16xf32>
          %add3A_356 = arith.addf %add3A_302, %mul3A_355 : vector<16xf32>
          %scan3A_357 = arith.constant 3 : i32
          %scan3A_358 = arith.addi %scan3A_196, %scan3A_357 : i32
          %broadcast_in_dim3A_359 = vector.broadcast %scan3A_358 : i32 to vector<16xi32>
          %add3A_360 = arith.constant 0 : i32
          %add3A_361 = vector.broadcast %add3A_360 : i32 to vector<16xi32>
          %add3A_362 = arith.addi %add3A_166, %add3A_361 : vector<16xi32>
          %gather3A_363 = tpu.vector_load_idx %arg20[%add3A_362, %broadcast_in_dim3A_359] : memref<128x64xf32, #tpu.memory_space<vmem>>[vector<16xi32>, vector<16xi32>], vector<16xf32>,
          %mul3A_364 = arith.mulf %gather3A_363, %get3A_167 : vector<16xf32>
          %add3A_365 = arith.constant 64 : i32
          %add3A_366 = vector.broadcast %add3A_365 : i32 to vector<16xi32>
          %add3A_367 = arith.addi %add3A_166, %add3A_366 : vector<16xi32>
          %gather3A_368 = tpu.vector_load_idx %arg20[%add3A_367, %broadcast_in_dim3A_359] : memref<128x64xf32, #tpu.memory_space<vmem>>[vector<16xi32>, vector<16xi32>], vector<16xf32>,
          %mul3A_369 = arith.mulf %gather3A_368, %get3A_169 : vector<16xf32>
          %add3A_370 = arith.addf %mul3A_364, %mul3A_369 : vector<16xf32>
          %add3A_371 = arith.constant 0 : i32
          %add3A_372 = vector.broadcast %add3A_371 : i32 to vector<16xi32>
          %add3A_373 = arith.addi %add3A_166, %add3A_372 : vector<16xi32>
          %gather3A_374 = tpu.vector_load_idx %arg21[%add3A_373, %broadcast_in_dim3A_359] : memref<128x64xf32, #tpu.memory_space<vmem>>[vector<16xi32>, vector<16xi32>], vector<16xf32>,
          %mul3A_375 = arith.mulf %gather3A_374, %get3A_171 : vector<16xf32>
          %add3A_376 = arith.addf %add3A_370, %mul3A_375 : vector<16xf32>
          %add3A_377 = arith.constant 64 : i32
          %add3A_378 = vector.broadcast %add3A_377 : i32 to vector<16xi32>
          %add3A_379 = arith.addi %add3A_166, %add3A_378 : vector<16xi32>
          %gather3A_380 = tpu.vector_load_idx %arg21[%add3A_379, %broadcast_in_dim3A_359] : memref<128x64xf32, #tpu.memory_space<vmem>>[vector<16xi32>, vector<16xi32>], vector<16xf32>,
          %mul3A_381 = arith.mulf %gather3A_380, %get3A_173 : vector<16xf32>
          %add3A_382 = arith.addf %add3A_376, %mul3A_381 : vector<16xf32>
          %add3A_383 = arith.constant 0 : i32
          %add3A_384 = vector.broadcast %add3A_383 : i32 to vector<16xi32>
          %add3A_385 = arith.addi %add3A_166, %add3A_384 : vector<16xi32>
          %gather3A_386 = tpu.vector_load_idx %arg22[%add3A_385, %broadcast_in_dim3A_359] : memref<128x64xf32, #tpu.memory_space<vmem>>[vector<16xi32>, vector<16xi32>], vector<16xf32>,
          %mul3A_387 = arith.mulf %gather3A_386, %get3A_175 : vector<16xf32>
          %add3A_388 = arith.addf %add3A_382, %mul3A_387 : vector<16xf32>
          %add3A_389 = arith.constant 64 : i32
          %add3A_390 = vector.broadcast %add3A_389 : i32 to vector<16xi32>
          %add3A_391 = arith.addi %add3A_166, %add3A_390 : vector<16xi32>
          %gather3A_392 = tpu.vector_load_idx %arg22[%add3A_391, %broadcast_in_dim3A_359] : memref<128x64xf32, #tpu.memory_space<vmem>>[vector<16xi32>, vector<16xi32>], vector<16xf32>,
          %mul3A_393 = arith.mulf %gather3A_392, %get3A_177 : vector<16xf32>
          %add3A_394 = arith.addf %add3A_388, %mul3A_393 : vector<16xf32>
          %add3A_395 = arith.constant 0 : i32
          %add3A_396 = vector.broadcast %add3A_395 : i32 to vector<16xi32>
          %add3A_397 = arith.addi %add3A_166, %add3A_396 : vector<16xi32>
          %gather3A_398 = tpu.vector_load_idx %arg23[%add3A_397, %broadcast_in_dim3A_359] : memref<128x64xf32, #tpu.memory_space<vmem>>[vector<16xi32>, vector<16xi32>], vector<16xf32>,
          %mul3A_399 = arith.mulf %gather3A_398, %get3A_179 : vector<16xf32>
          %add3A_400 = arith.addf %add3A_394, %mul3A_399 : vector<16xf32>
          %add3A_401 = arith.constant 64 : i32
          %add3A_402 = vector.broadcast %add3A_401 : i32 to vector<16xi32>
          %add3A_403 = arith.addi %add3A_166, %add3A_402 : vector<16xi32>
          %gather3A_404 = tpu.vector_load_idx %arg23[%add3A_403, %broadcast_in_dim3A_359] : memref<128x64xf32, #tpu.memory_space<vmem>>[vector<16xi32>, vector<16xi32>], vector<16xf32>,
          %mul3A_405 = arith.mulf %gather3A_404, %get3A_181 : vector<16xf32>
          %add3A_406 = arith.addf %add3A_400, %mul3A_405 : vector<16xf32>
          %gather3A_407 = tpu.vector_load_idx %arg15[%broadcast_in_dim3A_359] : memref<64xf32, #tpu.memory_space<vmem>>[vector<16xi32>], vector<16xf32>,
          %sub3A_408 = arith.subf %add3A_406, %gather3A_407 : vector<16xf32>
          %mul3A_409 = arith.mulf %sub3A_408, %sub3A_408 : vector<16xf32>
          %add3A_410 = arith.addf %add3A_356, %mul3A_409 : vector<16xf32>
          scf.yield %add3A_410 : vector<16xf32>
        }
        %scan3A_188 = arith.constant 64 : i32
        %get3A_189 = arith.index_cast %add3A_162 : i32 to index
        %get3A_190 = tpu.vector_load %arg14[%get3A_189] {strides = array<i32>} : memref<1024xf32, #tpu.memory_space<vmem>>, vector<16xf32>,
        %mul3A_191 = arith.constant 7.812500e-03 : f32
        %mul3A_192 = vector.broadcast %mul3A_191 : f32 to vector<16xf32>
        %mul3A_193 = arith.mulf %scan3A_187, %mul3A_192 : vector<16xf32>
        %sub3A_194 = arith.subf %get3A_190, %mul3A_193 : vector<16xf32>
        %exp3A = math.exp %sub3A_194 : vector<16xf32>
        %swap3A = arith.index_cast %add3A_162 : i32 to index
        %swap3A_195 = tpu.vector_load %arg26[%swap3A] {strides = array<i32>} : memref<1024xf32, #tpu.memory_space<vmem>>, vector<16xf32>,
        tpu.vector_store %arg26[%swap3A], %exp3A {strides = array<i32>} : memref<1024xf32, #tpu.memory_space<vmem>>, vector<16xf32>,
      }
      %scan3A_152 = arith.constant 4 : i32
    }
    %scan3A_50 = arith.constant 8 : i32
    "tpu.region"() ({
      %run_scoped3A = tpu.sem_alloc : memref<!tpu.dma_semaphore, #tpu.memory_space<semaphore_mem>>
      %dma_start3A_51 = tpu.memref_slice %arg8[%mul3A_20] : memref<32768xf32, #tpu.memory_space<hbm>> -> memref<1024xf32, #tpu.memory_space<hbm>>
      %dma_start3A_52 = tpu.memref_slice %arg8[%mul3A_20] : memref<32768xf32, #tpu.memory_space<hbm>> -> memref<1024xf32, #tpu.memory_space<hbm>>
      tpu.enqueue_dma source(%arg26 : memref<1024xf32, #tpu.memory_space<vmem>>) target(%dma_start3A_52 : memref<1024xf32, #tpu.memory_space<hbm>>) target_semaphore(%run_scoped3A : memref<!tpu.dma_semaphore, #tpu.memory_space<semaphore_mem>>)
      %dma_wait3A = tpu.memref_slice %arg8[%mul3A_20] : memref<32768xf32, #tpu.memory_space<hbm>> -> memref<1024xf32, #tpu.memory_space<hbm>>
      %dma_wait3A_53 = tpu.memref_slice %arg8[%mul3A_20] : memref<32768xf32, #tpu.memory_space<hbm>> -> memref<1024xf32, #tpu.memory_space<hbm>>
      tpu.wait_dma2 semaphore(%run_scoped3A : memref<!tpu.dma_semaphore, #tpu.memory_space<semaphore_mem>>) src(%arg26 : memref<1024xf32, #tpu.memory_space<vmem>>) dst(%dma_wait3A_53 : memref<1024xf32, #tpu.memory_space<hbm>>)
      tpu.yield
    }) : () -> ()
    return
  }
}

module attributes {stable_mosaic.version = 14 : i64} {
  func.func @_norm_body(%arg0: memref<4x8192xf32, #tpu.memory_space<vmem>>, %arg1: memref<4x8192xf32, #tpu.memory_space<vmem>>) attributes {dimension_semantics = [], scalar_prefetch = 0 : i64, scratch_operands = 0 : i64, tpu.core_type = #tpu.core_type<tc>} {
    %get3A = arith.constant 0 : index
    %get3A_0 = arith.constant 0 : index
    %get3A_1 = vector.load %arg0[%get3A, %get3A_0] : memref<4x8192xf32, #tpu.memory_space<vmem>>, vector<4x8192xf32>
    %reduce_sum3A = arith.constant dense<0.000000e+00> : vector<4xf32>
    %reduce_sum3A_2 = vector.multi_reduction <add>, %get3A_1, %reduce_sum3A [1] : vector<4x8192xf32> to vector<4xf32>
    %broadcast_in_dim3A = vector.shape_cast %reduce_sum3A_2 : vector<4xf32> to vector<4x1xf32>
    %div3A = vector.broadcast %broadcast_in_dim3A : vector<4x1xf32> to vector<4x8192xf32>
    %div3A_3 = arith.divf %get3A_1, %div3A : vector<4x8192xf32>
    %swap3A = arith.constant 0 : index
    %swap3A_4 = arith.constant 0 : index
    %swap3A_5 = vector.load %arg1[%swap3A, %swap3A_4] : memref<4x8192xf32, #tpu.memory_space<vmem>>, vector<4x8192xf32>
    tpu.vector_store %arg1[%swap3A, %swap3A_4], %div3A_3 {strides = array<i32>} : memref<4x8192xf32, #tpu.memory_space<vmem>>, vector<4x8192xf32>,
    return
  }
}

</mosaic_0001>

<sc_bundles>
// kernel: kernel.4.cloned.1.call-start
scs
__scs_entry_jumppad:
0x0: {  	(pc) =	sbr.rel $0x88, $3  }
0x1: {  	(tag) =	ssettag $0x0;
	lr =	simm.s32 $0x1  }
0x2: {  	[smem:$0x3F9D] =	sst lr;
	_ =	strace $0xD0000000  }
0x3: {  	_ = 	snop  }
0x4: {  	_ = 	snop  }
0x5: {  	_ = 	snop  }
0x6: {  	_ = 	snop  }
0x7: {  	_ = 	snop  }
__scs_overlays_trampoline_lowered:
0x8: {  	[smem:$0x3FAC] =	sst s0  }
0x9: {  	[smem:$0x3FAD] =	sst s1  }
0xa: {  	[smem:$0x3FAE] =	sst s2  }
0xb: {  	[smem:$0x3FAF] =	sst s3  }
0xc: {  	[smem:$0x3FB0] =	sst s4  }
0xd: {  	[smem:$0x3FB1] =	sst s5  }
0xe: {  	[smem:$0x3FB2] =	sst s6  }
0xf: {  	[smem:$0x3FB3] =	sst s7  }
0x10: {  	[smem:$0x3FB4] =	sst s8  }
0x11: {  	[smem:$0x3FB5] =	sst s9;
	s0 =	simm.s32 @!p0 $0x0  }
0x12: {  	s1 =	sld [smem:$0x3F9B];
	s0 =	simm.s32 @p0 $0x1  }
0x13: {  	[smem:$0x3FB6] =	sst s0;
	s0 =	simm.s32 @!p1 $0x0  }
0x14: {  	s2 =	sld [smem:$0x3F9A];
	s0 =	simm.s32 @p1 $0x1  }
0x15: {  	[smem:$0x3FB7] =	sst s0;
	s0 =	simm.s32 @!p2 $0x0  }
0x16: {  	s3 =	sld [smem:$0x3FDB];
	s0 =	simm.s32 @p2 $0x1  }
0x17: {  	s4 =	simm.s32 $0x1BF5;
	[smem:$0x3FB9] =	sst s0  }
0x18: {  	s0 =	sld [smem:$0x3F9C];
	_ =	swait.ge [sflag:s4], $0x0  }
0x19: {  	s7 =	sld [smem:$0x3F9D]  }
0x1a: {  	s8 =	sadd.s32 $0xFFFFE003, lr  }
0x1b: {  	s9 =	sadd.s32 $0xFFFFFEF7, lr;
	s5 =	simm.s32 $0xFFFFFFFF;
	p2 =	slt.u32 s8, $0xFFFFF086  }
0x1c: {  	p1 =	slt.u32 s9, $0xF7A;
	s5 =	simm.s32 @!p2 $0x0  }
0x1d: {  	s5 =	simm.s32 @p1 $0x1;
	p0 =	seq.s32 s7, s2  }
0x1e: {  	s7 =	smul.u32 @!p0 $0xF7A, s2;
	p2 =	seq.s32 @!p0 s5, $0x0  }
0x1f: {  	s9 =	smul.u32 $0xF7A, s1;
	s8 =	simm.s32 @!p0 $0x1BF5;
	p2 =	por !p2, p0  }
0x20: {  	[sflag:s8] =	ssyncset.s32 @!p0 $0xFFFFF086;
	s6 =	sadd.s32 @!p0 s3, s7;
	s7 =	simm.s32 @!p0 $0x108  }
0x21: {  	s3 =	sadd.s32 s3, s9;
	s6 =	sadd.s32 @!p0 $0x88, s6;
	s7 =	simm.s32 @p2 $0x1082  }
0x22: {  	[simem:s7], [sflag:s8] =	dma.local @!p0 [hbm:s6], $0xF7A  }
0x23: {  	s9 =	sor.u32 $0xD0000000, s2;
	s6 =	simm.s32 $0x108;
	_ =	swait.ge @!p0 [sflag:s8], $0x0  }
0x24: {  	s3 =	sadd.s32 $0x88, s3;
	s6 =	simm.s32 @!p1 $0x1082;
	[sflag:s4] =	ssyncset.s32 $0xFFFFF086  }
0x25: {  	[simem:s6], [sflag:s4] =	dma.local [hbm:s3], $0xF7A  }
0x26: {  	[smem:$0x3F9D] =	sst s1;
	(tag) =	ssettag s2;
	_ =	strace s9  }
0x27: {  	s1 =	sld [smem:$0x3FAD]  }
0x28: {  	s2 =	sld [smem:$0x3FAE]  }
0x29: {  	s4 =	sld [smem:$0x3FB0]  }
0x2a: {  	p0 =	seq.s32 s5, $0x0;
	s5 =	sld [smem:$0x3FB1]  }
0x2b: {  	s6 =	sld [smem:$0x3FB2]  }
0x2c: {  	s7 =	sld [smem:$0x3FB3]  }
0x2d: {  	s3 =	simm.s32 $0x108;
	s8 =	sld [smem:$0x3FB4]  }
0x2e: {  	s3 =	simm.s32 @!p0 $0x1082;
	s9 =	sld [smem:$0x3FB5]  }
0x2f: {  	lr =	sadd.s32 s0, s3;
	s0 =	sld [smem:$0x3FAC]  }
0x30: {  	s3 =	sld [smem:$0x3FAF]  }
0x31: {  	[smem:$0x3FB8] =	sst s10  }
0x32: {  	s10 =	sld [smem:$0x3FB6];
	_ =	sdelay $0x3  }
0x33: {  	p0 =	seq.s32 s10, $0x1;
	s10 =	sld [smem:$0x3FB8];
	_ =	sdelay $0x3  }
0x34: {  	[smem:$0x3FB8] =	sst s10  }
0x35: {  	s10 =	sld [smem:$0x3FB7];
	_ =	sdelay $0x3  }
0x36: {  	p1 =	seq.s32 s10, $0x1;
	s10 =	sld [smem:$0x3FB8];
	_ =	sdelay $0x3  }
0x37: {  	[smem:$0x3FB8] =	sst s10  }
0x38: {  	s10 =	sld [smem:$0x3FB9]  }
0x39: {  	_ = 	snop;
	(pc) =	sbr.ind lr, $3  }
0x3a: {  	_ = 	snop  }
0x3b: {  	_ = 	snop  }
0x3c: {  	p2 =	seq.s32 s10, $0x1;
	s10 =	sld [smem:$0x3FB8]  }
0x3d: {  	_ =	shalt  }
0x3e: {  	_ =	shalt  }
0x3f: {  	_ =	shalt  }
0x40: {  	_ =	shalt  }
0x41: {  	_ =	shalt  }
0x42: {  	_ =	shalt  }
0x43: {  	_ =	shalt  }
0x44: {  	_ =	shalt  }
0x45: {  	_ =	shalt  }
0x46: {  	_ =	shalt  }
0x47: {  	_ =	shalt  }
0x48: {  	_ =	shalt  }
0x49: {  	_ =	shalt  }
0x4a: {  	_ =	shalt  }
0x4b: {  	_ =	shalt  }
0x4c: {  	_ =	shalt  }
0x4d: {  	_ =	shalt  }
0x4e: {  	_ =	shalt  }
0x4f: {  	_ =	shalt  }
0x50: {  	_ =	shalt  }
0x51: {  	_ =	shalt  }
0x52: {  	_ =	shalt  }
0x53: {  	_ =	shalt  }
0x54: {  	_ =	shalt  }
0x55: {  	_ =	shalt  }
0x56: {  	_ =	shalt  }
0x57: {  	_ =	shalt  }
0x58: {  	_ =	shalt  }
0x59: {  	_ =	shalt  }
0x5a: {  	_ =	shalt  }
0x5b: {  	_ =	shalt  }
0x5c: {  	_ =	shalt  }
0x5d: {  	_ =	shalt  }
0x5e: {  	_ =	shalt  }
0x5f: {  	_ =	shalt  }
0x60: {  	_ =	shalt  }
0x61: {  	_ =	shalt  }
0x62: {  	_ =	shalt  }
0x63: {  	_ =	shalt  }
0x64: {  	_ =	shalt  }
0x65: {  	_ =	shalt  }
0x66: {  	_ =	shalt  }
0x67: {  	_ =	shalt  }
0x68: {  	_ =	shalt  }
0x69: {  	_ =	shalt  }
0x6a: {  	_ =	shalt  }
0x6b: {  	_ =	shalt  }
0x6c: {  	_ =	shalt  }
0x6d: {  	_ =	shalt  }
0x6e: {  	_ =	shalt  }
0x6f: {  	_ =	shalt  }
0x70: {  	_ =	shalt  }
0x71: {  	_ =	shalt  }
0x72: {  	_ =	shalt  }
0x73: {  	_ =	shalt  }
0x74: {  	_ =	shalt  }
0x75: {  	_ =	shalt  }
0x76: {  	_ =	shalt  }
0x77: {  	_ =	shalt  }
0x78: {  	_ =	shalt  }
0x79: {  	_ =	shalt  }
0x7a: {  	_ =	shalt  }
0x7b: {  	_ =	shalt  }
0x7c: {  	_ =	shalt  }
0x7d: {  	_ =	shalt  }
0x7e: {  	_ =	shalt  }
0x7f: {  	_ =	shalt  }
0x80: {  	_ =	shalt  }
0x81: {  	_ =	shalt  }
0x82: {  	_ =	shalt  }
0x83: {  	_ =	shalt  }
0x84: {  	_ =	shalt  }
0x85: {  	_ =	shalt  }
0x86: {  	_ =	shalt  }
0x87: {  	_ =	shalt  }
.Lfunc_end0:
.L_simem_size_0:
called_computation.1_lowered:
.L_overlay_start_0:
0x88: {  	s2 =	sld [smem:$0x3FD9]  }
0x89: {  	s3 =	sld [smem:$0x3FFE];
	_ =	sdelay $0x1  }
0x8a: {  	s1 =	srdreg.scid  }
0x8b: {  	s0 =	sand.u32 $0x1, s1  }
0x8c: {  	s17 =	sshll.u32 s0, $0xA;
	s2 =	sadd.s32 s3, s2  }
0x8d: {  	s2 =	sadd.s32 s2, s17  }
0x8e: {  	[smem:$0x3FC4] =	sst s2  }
0x8f: {  	_ = 	snop  }
0x90: {  	s2 =	sld [smem:$0x3FD0];
	(tm) =	ssettm $0x1  }
0x91: {  	s18 =	sld [smem:$0x3FFB];
	_ =	sdelay $0x3  }
0x92: {  	_ =	strace s18  }
0x93: {  	s3 =	sld [smem:$0x3FFC];
	_ =	sdelay $0x3  }
0x94: {  	_ =	strace s3  }
0x95: {  	s3 =	sld [smem:$0x3FFD];
	_ =	sdelay $0x3  }
0x96: {  	_ =	strace s3  }
0x97: {  	_ =	strace $0x8FFFFFFF  }
0x98: {  	s19 =	sld [smem:$0x3FDB];
	_ =	sdelay $0x1  }
0x99: {  	s4 =	simm.s32 $_scs_section_size  }
0x9a: {  	s5 =	simm.s32 $_size__tile_overlayer_lowered;
	s6 =	simm.s32 $_tile_overlayer_lowered  }
0x9b: {  	s22 =	simm.s32 $0x1BFF;
	s21 =	sshll.u32 s6, $0x1;
	s3 =	sadd.s32 s4, s19  }
0x9c: {  	s7 =	simm.s32 $0x0;
	s20 =	sshll.u32 s5, $0x1;
	s5 =	sadd.s32 s21, s3  }
0x9d: {  	[timem:s7], [sflag:s22] =	dma.local [hbm:s5], s20  }
0x9e: {  	_ =	swait.ge [sflag:s22], s20  }
0x9f: {  	s4 =	ssub.s32 $0x0, s20;
	[sflag:s22] =	ssyncset.done $0x0  }
0xa0: {  	[sflag:s22] =	ssyncadd.s32 s4;
	_ =	sdelay $0x1  }
0xa1: {  	s23 =	simm.s32 $0x1B8B  }
0xa2: {  	_ =	swait.ge [sflag:s23], $0x1  }
0xa3: {  	[sflag:s23] =	ssyncset.done $0x0  }
0xa4: {  	s25 =	simm.s32 $0x1B8E;
	s24 =	sld [smem:$0x3FFE];
	[sflag:s23] =	ssyncadd.s32 $0xFFFFFFFF  }
0xa5: {  	s26 =	simm.s32 $execute0_lowered;
	[smem:$0x3FD2] =	sst s25  }
0xa6: {  	s5 =	sshll.u32 s26, $0x1;
	_ =	strace $0x80000049;
	[dreg:$0x1] =	wrdreg $0xFFFFFFFF  }
0xa7: {  	s28 =	simm.s32 $_size_execute0_lowered;
	s3 =	sadd.s32 s3, s5;
	[dreg:$0x0] =	wrdreg $0x0  }
0xa8: {  	s5 =	sshll.u32 s28, $0x1;
	[dreg:$0x2] =	wrdreg s3  }
0xa9: {  	[dreg:$0x3] =	wrdreg s5  }
0xaa: {  	[dreg:$0x4] =	wrdreg $0xC0  }
0xab: {  	_ =	task [dreg:s7], $0x5FFFF  }
0xac: {  	[dreg:$0x1] =	wrdreg $0xFFFFFFFF  }
0xad: {  	[dreg:$0x0] =	wrdreg $0x60  }
0xae: {  	[dreg:$0x2] =	wrdreg s2  }
0xaf: {  	[dreg:$0x3] =	wrdreg s24  }
0xb0: {  	[dreg:$0x4] =	wrdreg $0x9  }
0xb1: {  	_ =	task.clear_ibuf [dreg:s7], $0x5FFFF;
	_ =	strace $0x90000049  }
0xb2: {  	s29 =	simm.s32 $0x9;
	_ =	strace $0x8000004B  }
0xb3: {  	_ =	swait.ge [sflag:s29], $0x1  }
0xb4: {  	[sflag:s29] =	ssyncadd.s32 $0xFFFFFFFF  }
0xb5: {  	_ =	strace $0x9000004B  }
0xb6: {  	_ =	sfence  }
0xb7: {  	s30 =	sld [smem:$0x0];
	_ =	sdelay $0x2  }
0xb8: {  	s31 =	sshll.u32 s1, $0xD;
	s1 =	sshrl.u32 s1, $0x2  }
0xb9: {  	s3 =	sand.u32 $0x4000, s31;
	s1 =	sadd.s32 s1, s30  }
0xba: {  	s0 =	sor.u32 s3, s0;
	s1 =	sshll.u32 s1, $0x11  }
0xbb: {  	s0 =	sor.u32 s1, s0  }
0xbc: {  	s0 =	sadd.s32 $0x8F2B, s0  }
0xbd: {  	[sflag:s0] =	ssyncadd.remote.s32 $0x1  }
0xbe: {  	_ =	sfence.sel $0xFFFF  }
0xbf: {  	[dreg:$0x0] =	wrdreg $0xFFFFFFFF;
	(pc) =	sbr.abs _section_cstart, $3  }
0xc0: {  	[dreg:$0x1] =	wrdreg $0xFFFFFFFF  }
0xc1: {  	_ =	task.clear_ibuf [dreg:s7], $0x2FFFF;
	_ =	strace $0x9FFFFFFF  }
0xc2: {  	(tm) =	ssettm $0x7FFFFFFF  }
0xc3: {  	_ =	shalt  }
tec
execute0_lowered:
.L_overlay_start_1:
0x0: {  	(tag) =	ssettag $0x1  }
0x1: {  	s0 =	rddreg [dreg:$0x0]  }
0x2: {  	s1 =	rddreg [dreg:$0x1]  }
0x3: {  	s2 =	simm.s32 $0x0;
	s6 =	stileid.u32;
	s3 =	srdreg.scid  }
0x4: {  	s11 =	simm.s32 $0x2800;
	s12 =	simm.s32 $0x3;
	s16 =	simm.s32 $0x80  }
0x5: {  	s18 =	simm.s32 $0x2840;
	s20 =	simm.s32 $0x4840;
	s22 =	simm.s32 $0x6840  }
0x6: {  	s24 =	simm.s32 $0x8840;
	s25 =	simm.s32 $0xA840;
	s28 =	simm.s32 $0xE840  }
0x7: {  	s29 =	simm.s32 $0x10840;
	s30 =	simm.s32 $0x1;
	s31 =	simm.s32 $0x2  }
0x8: {  	[smem:$0x7FF] =	sst s2;
	s4 =	sshrl.u32 s6, $0x2;
	s3 =	sand.u32 $0x1, s3  }
0x9: {  	s6 =	sshll.u32 s6, $0x8;
	_ =	strace $0x8000004A;
	s5 =	sshll.u32 s4, $0x3  }
0xa: {  	s7 =	sshll.u32 s3, $0x7;
	s8 =	ssub.s32 $0x2, s3;
	s3 =	sadd.s32 $0x804200, s1  }
0xb: {  	s13 =	sshll.u32 s4, $0x11;
	s6 =	sor.u32 s7, s6;
	s26 =	sshrl.u32 s8, $0x1  }
0xc: {  	v0 =	vlaneseq.u32;
	s5 =	sadd.s32 s5, s1;
	s1 =	sadd.s32 s6, s1;
	s10 =	ssub.s32 s8, s26  }
0xd: {  	v0 =	vmul.u32 $0x40, v0;
	s4 =	sadd.s32 $0x804000, s5;
	s5 =	sadd.s32 s0, s6;
	s26 =	simm.s32 $0xC840  }
0xe: {  	s6 =	sadd.s32 $0x802000, s1;
	s7 =	sadd.s32 $0x801000, s1;
	s8 =	sadd.s32 $0x803000, s1  }
0xf: {  	v1 =	vmov s13;
	v2 =	vor.u32 $0x1000, v0;
	s9 =	sadd.s32 $0x1000, s1;
	s10 =	smax.u32 s10, $0x1;
	s1 =	simm.s32 $0x0  }
.LBB2_1:
0x10: {  	[tilespmem:s11], [sflag:$0x3] =	stream.linear.gather [hbm4b:s4+s2], $0x40, $0x38;
	[tilespmem:$0x15440] =	vst v63  }
0x11: {  	_ =	swait.ge [sflag:s12], $0x40  }
0x12: {  	[sflag:s12] =	ssyncset.done $0x0  }
0x13: {  	s0 =	simm.s32 $0x14C40;
	[sflag:s12] =	ssyncadd.s32 $0xFFFFFFC0  }
0x14: {  	[tilespmem:s0], [sflag:$0x3] =	stream.linear.gather [hbm4b:s5+s2], $0x400, $0x38;
	[tilespmem:$0x15440] =	vst v63  }
0x15: {  	_ =	swait.ge [sflag:s12], $0x400  }
0x16: {  	[sflag:s12] =	ssyncset.done $0x0  }
0x17: {  	s21 =	simm.s32 $0x15040;
	[sflag:s12] =	ssyncadd.s32 $0xFFFFFC00  }
0x18: {  	[tilespmem:s21], [sflag:$0x3] =	stream.linear.gather [hbm4b:s6+s2], $0x400, $0x38;
	[tilespmem:$0x15440] =	vst v63  }
0x19: {  	_ =	swait.ge [sflag:s12], $0x400  }
0x1a: {  	[sflag:s12] =	ssyncset.done $0x0  }
0x1b: {  	[sflag:s12] =	ssyncadd.s32 $0xFFFFFC00  }
0x1c: {  	[tilespmem:s2], [sflag:$0x3] =	stream.linear.gather [hbm4b:s7+s2], $0x400, $0x38;
	[tilespmem:$0x15440] =	vst v63  }
0x1d: {  	_ =	swait.ge [sflag:s12], $0x400  }
0x1e: {  	[sflag:s12] =	ssyncset.done $0x0  }
0x1f: {  	s23 =	simm.s32 $0x2400;
	[sflag:s12] =	ssyncadd.s32 $0xFFFFFC00  }
0x20: {  	[tilespmem:s23], [sflag:$0x3] =	stream.linear.gather [hbm4b:s8+s2], $0x400, $0x38;
	[tilespmem:$0x15440] =	vst v63  }
0x21: {  	_ =	swait.ge [sflag:s12], $0x400  }
0x22: {  	[sflag:s12] =	ssyncset.done $0x0  }
0x23: {  	s13 =	simm.s32 $0x0;
	[sflag:s12] =	ssyncadd.s32 $0xFFFFFC00  }
0x24: {  	v3 =	vld [tilespmem:s13+$0x0];
	_ =	sdelay $0x2  }
0x25: {  	v4 =	vld [tilespmem:s13+$0x15040]  }
0x26: {  	v5 =	vld [tilespmem:s13+$0x14C40]  }
0x27: {  	v3 =	vmul.f32 $2.777777850e-03, v3;
	_ =	sdelay $0x1  }
0x28: {  	v6 =	vtrunc.f32 v3  }
0x29: {  	v7 =	vtrunc.f32 v4;
	v6 =	vcvt.f32.s32 v6  }
0x2a: {  	v8 =	vtrunc.f32 v5;
	v7 =	vcvt.f32.s32 v7  }
0x2b: {  	v8 =	vcvt.f32.s32 v8;
	v6 =	vcvt.s32.f32 v6;
	_ =	sdelay $0x1  }
0x2c: {  	vm0 =	vlt.s32 v7, $0x7E;
	vm1 =	vlt.s32 v8, $0x7E;
	v3 =	vsub.f32 v3, v6  }
0x2d: {  	v6 =	vnsel vm0, $0x7E, v7;
	v7 =	vnsel vm1, $0x7E, v8  }
0x2e: {  	v8 =	vmul.f32 $8.000000000e+00, v3;
	v3 =	vcvt.s32.f32 v7;
	v7 =	vshll.u32 v7, $0x3  }
0x2f: {  	v9 =	vcvt.s32.f32 v6;
	v7 =	vadd.s32 v1, v7  }
0x30: {  	v10 =	vtrunc.f32 v8;
	v3 =	vsub.f32 v5, v3;
	v5 =	vshll.u32 v6, $0xA  }
0x31: {  	v6 =	vsub.f32 v4, v9;
	v9 =	vcvt.f32.s32 v10;
	v10 =	vadd.s32 v5, v7  }
0x32: {  	v13 =	vsub.f32 $1.000000000e+00, v3;
	v11 =	vadd.s32 $0x408, v10  }
0x33: {  	v4 =	vmul.f32 v6, v3;
	v14 =	vadd.s32 $0x8, v10;
	vm14 =	vlt.s32 v9, $0x7  }
0x34: {  	s14 =	sand.u32 $0x780, s2;
	s15 =	sand.u32 $0x30, s2;
	v15 =	vadd.s32 $0x400, v10;
	v12 =	vnsel vm14, $0x7, v9;
	v5 =	vmul.f32 v13, v6  }
0x35: {  	s21 =	sor.u32 s15, s14;
	v16 =	vadd.s32 $0x1, v12;
	v7 =	vadd.s32 v10, v12;
	v17 =	vadd.s32 v15, v12  }
0x36: {  	v18 =	vcvt.s32.f32 v12;
	v9 =	vadd.s32 v14, v12;
	vm15 =	veq.s32 v16, $0x8;
	[tilespmem:s21+$0x400] =	vst v7  }
0x37: {  	v7 =	vsub.f32 $1.000000000e+00, v6;
	[tilespmem:s21+$0x1400] =	vst v17;
	v6 =	vadd.s32 v11, v12;
	v16 =	vsel vm15, $0x0, v16  }
0x38: {  	s17 =	simm.s32 $0x40;
	[tilespmem:s21+$0x1C00] =	vst v6;
	v12 =	vadd.s32 v10, v16;
	v10 =	vadd.s32 v14, v16;
	v14 =	vadd.s32 v15, v16  }
0x39: {  	s19 =	simm.s32 $0x80;
	s14 =	simm.s32 $0x20;
	s15 =	simm.s32 $0x0;
	v6 =	vsub.f32 v8, v18;
	v11 =	vadd.s32 v11, v16;
	v8 =	vmul.f32 v7, v13;
	[tilespmem:s21+$0x1440] =	vst v14  }
.LBB2_2:
0x3a: {  	s0 =	sshra.s32 s17, $0x2  }
0x3b: {  	[tilespmem:s21+$0x440] =	vst v12;
	v3 =	vmul.f32 v7, v3;
	s15 =	sadd.s32 $0x10, s15;
	s17 =	smov.u32 s19;
	s23 =	sadd.s32 $0x40, s19  }
0x3c: {  	p0 =	sne.s32 s19, $0xFC0;
	v7 =	vsub.f32 $1.000000000e+00, v6;
	[tilespmem:s21+$0xC40] =	vst v10;
	v10 =	vmul.f32 v6, v8  }
0x3d: {  	v12 =	vmul.f32 v6, v4;
	[tilespmem:s21+$0xC00] =	vst v9;
	v9 =	vmul.f32 v6, v5  }
0x3e: {  	[tilespmem:s21+$0x1C40] =	vst v11;
	v8 =	vmul.f32 v7, v8;
	v11 =	vmul.f32 v7, v3  }
0x3f: {  	v5 =	vmul.f32 v7, v5;
	v4 =	vmul.f32 v7, v4;
	v13 =	vld [tilespmem:s0+$0x0];
	[tilespmem:s13+$0x13040] =	vst v10  }
0x40: {  	v3 =	vmul.f32 v6, v3;
	[tilespmem:s13+$0x14840] =	vst v12  }
0x41: {  	[tilespmem:s13+$0x13C40] =	vst v5  }
0x42: {  	v5 =	vld [tilespmem:s0+$0x15040];
	[tilespmem:s13+$0x14440] =	vst v4  }
0x43: {  	v4 =	vld [tilespmem:s0+$0x14C40];
	[tilespmem:s13+$0x14040] =	vst v9  }
0x44: {  	v6 =	vmul.f32 $2.777777850e-03, v13;
	[tilespmem:s13+$0x13840] =	vst v3  }
0x45: {  	[tilespmem:s13+$0x12C40] =	vst v8  }
0x46: {  	v3 =	vtrunc.f32 v6;
	[tilespmem:s13+$0x13440] =	vst v11;
	s13 =	smov.u32 s0  }
0x47: {  	v3 =	vcvt.f32.s32 v3;
	v7 =	vtrunc.f32 v5  }
0x48: {  	v8 =	vtrunc.f32 v4;
	v7 =	vcvt.f32.s32 v7  }
0x49: {  	v3 =	vcvt.s32.f32 v3;
	v8 =	vcvt.f32.s32 v8  }
0x4a: {  	vm0 =	vlt.s32 v7, $0x7E  }
0x4b: {  	v3 =	vsub.f32 v6, v3;
	vm1 =	vlt.s32 v8, $0x7E;
	v6 =	vnsel vm0, $0x7E, v7  }
0x4c: {  	v7 =	vnsel vm1, $0x7E, v8;
	v8 =	vcvt.s32.f32 v6  }
0x4d: {  	v11 =	vmul.f32 $8.000000000e+00, v3;
	v3 =	vcvt.s32.f32 v7;
	v7 =	vshll.u32 v7, $0x3  }
0x4e: {  	v8 =	vsub.f32 v5, v8;
	v5 =	vadd.s32 v1, v7  }
0x4f: {  	v7 =	vtrunc.f32 v11;
	v3 =	vsub.f32 v4, v3;
	v4 =	vshll.u32 v6, $0xA  }
0x50: {  	v6 =	vcvt.f32.s32 v7;
	v10 =	vadd.s32 v4, v5  }
0x51: {  	v13 =	vsub.f32 $1.000000000e+00, v3;
	v14 =	vadd.s32 $0x408, v10;
	v4 =	vmul.f32 v8, v3  }
0x52: {  	v15 =	vadd.s32 $0x8, v10;
	v16 =	vadd.s32 $0x400, v10;
	vm0 =	vlt.s32 v6, $0x7  }
0x53: {  	s19 =	sand.u32 $0x30, s15;
	s0 =	sand.u32 $0x780, s14;
	v6 =	vnsel vm0, $0x7, v6;
	v5 =	vmul.f32 v13, v8  }
.Ltmp0:
0x54: {  	s21 =	sor.u32 s19, s0;
	v12 =	vadd.s32 $0x1, v6;
	v7 =	vadd.s32 v10, v6;
	v17 =	vadd.s32 v16, v6;
	(pc) =	sbr.rel @p0 .LBB2_2-.Ltmp0, $4  }
0x55: {  	v18 =	vcvt.s32.f32 v6;
	v9 =	vadd.s32 v15, v6;
	vm0 =	veq.s32 v12, $0x8;
	[tilespmem:s21+$0x400] =	vst v7  }
0x56: {  	v6 =	vadd.s32 v14, v6;
	v7 =	vsub.f32 $1.000000000e+00, v8;
	v8 =	vsel vm0, $0x0, v12;
	[tilespmem:s21+$0x1400] =	vst v17  }
0x57: {  	v12 =	vadd.s32 v10, v8;
	v10 =	vadd.s32 v15, v8;
	v15 =	vadd.s32 v16, v8;
	[tilespmem:s21+$0x1C00] =	vst v6  }
0x58: {  	s14 =	sadd.s32 $0x20, s14;
	s19 =	smov.u32 s23;
	v6 =	vsub.f32 v11, v18;
	v11 =	vadd.s32 v14, v8;
	v8 =	vmul.f32 v7, v13;
	[tilespmem:s21+$0x1440] =	vst v15  }
0x59: {  	[tilespmem:s21+$0x440] =	vst v12  }
0x5a: {  	[tilespmem:s21+$0xC40] =	vst v10  }
0x5b: {  	[tilespmem:s21+$0xC00] =	vst v9  }
0x5c: {  	s17 =	sshra.s32 s17, $0x2;
	[tilespmem:s21+$0x1C40] =	vst v11  }
0x5d: {  	v9 =	vld [tilespmem:s17+$0x0]  }
0x5e: {  	v31 =	vsub.f32 $1.000000000e+00, v6;
	v32 =	vmul.f32 v6, v8  }
0x5f: {  	v33 =	vmul.f32 v6, v4  }
0x60: {  	[tilespmem:s13+$0x13040] =	vst v32;
	v34 =	vmul.f32 v31, v5  }
0x61: {  	[tilespmem:s13+$0x14840] =	vst v33;
	v35 =	vmul.f32 v31, v4  }
0x62: {  	[tilespmem:s13+$0x13C40] =	vst v34;
	v9 =	vmul.f32 $2.777777850e-03, v9  }
0x63: {  	v11 =	vld [tilespmem:s17+$0x15040];
	[tilespmem:s13+$0x14440] =	vst v35  }
0x64: {  	v12 =	vld [tilespmem:s17+$0x14C40];
	v36 =	vtrunc.f32 v9  }
0x65: {  	v4 =	vcvt.f32.s32 v36;
	_ =	sdelay $0x1  }
0x66: {  	v3 =	vmul.f32 v7, v3;
	v4 =	vcvt.s32.f32 v4  }
0x67: {  	v38 =	vmul.f32 v6, v5;
	v40 =	vmul.f32 v31, v8  }
0x68: {  	v13 =	vtrunc.f32 v11;
	v39 =	vtrunc.f32 v12;
	v4 =	vsub.f32 v9, v4  }
0x69: {  	v37 =	vcvt.f32.s32 v13;
	v9 =	vcvt.f32.s32 v39  }
0x6a: {  	v10 =	vmul.f32 v31, v3;
	v4 =	vmul.f32 $8.000000000e+00, v4  }
0x6b: {  	v3 =	vmul.f32 v6, v3;
	vm0 =	vlt.s32 v37, $0x7E;
	vm13 =	vlt.s32 v9, $0x7E  }
0x6c: {  	v7 =	vnsel vm0, $0x7E, v37;
	v42 =	vnsel vm13, $0x7E, v9;
	v14 =	vtrunc.f32 v4  }
0x6d: {  	v41 =	vcvt.s32.f32 v7;
	v6 =	vshll.u32 v42, $0x3;
	v43 =	vcvt.f32.s32 v14  }
0x6e: {  	[tilespmem:s13+$0x13840] =	vst v3;
	v45 =	vshll.u32 v7, $0xA;
	v44 =	vcvt.s32.f32 v42;
	v3 =	vadd.s32 v1, v6  }
0x6f: {  	s0 =	sadd.s32 $0x10, s15;
	[tilespmem:s13+$0x14040] =	vst v38;
	v11 =	vsub.f32 v11, v41;
	v3 =	vadd.s32 v45, v3;
	vm14 =	vlt.s32 v43, $0x7  }
0x70: {  	s14 =	sand.u32 $0x780, s14;
	s0 =	sand.u32 $0x30, s0;
	[tilespmem:s13+$0x12C40] =	vst v40;
	v5 =	vsub.f32 v12, v44;
	v47 =	vadd.s32 $0x400, v3;
	v46 =	vnsel vm14, $0x7, v43  }
0x71: {  	s0 =	sor.u32 s0, s14;
	[tilespmem:s13+$0x13440] =	vst v10;
	v49 =	vadd.s32 $0x408, v3;
	v54 =	vsub.f32 $1.000000000e+00, v11;
	v9 =	vadd.s32 v3, v46  }
0x72: {  	v55 =	vadd.s32 $0x8, v3;
	v48 =	vadd.s32 $0x1, v46;
	v50 =	vadd.s32 v47, v46;
	[tilespmem:s0+$0x400] =	vst v9  }
0x73: {  	v51 =	vsub.f32 $1.000000000e+00, v5;
	v52 =	vadd.s32 v49, v46;
	vm15 =	veq.s32 v48, $0x8;
	[tilespmem:s0+$0x1400] =	vst v50  }
0x74: {  	v53 =	vcvt.s32.f32 v46;
	v6 =	vadd.s32 v55, v46;
	[tilespmem:s0+$0x1C00] =	vst v52;
	v8 =	vsel vm15, $0x0, v48  }
0x75: {  	[tilespmem:s0+$0xC00] =	vst v6;
	v7 =	vadd.s32 v47, v8  }
0x76: {  	v57 =	vmul.f32 v54, v51;
	v4 =	vsub.f32 v4, v53;
	v3 =	vadd.s32 v3, v8;
	[tilespmem:s0+$0x1440] =	vst v7  }
0x77: {  	v9 =	vmul.f32 v51, v11;
	v56 =	vadd.s32 v55, v8;
	[tilespmem:s0+$0x440] =	vst v3  }
0x78: {  	v58 =	vadd.s32 v49, v8;
	v3 =	vmul.f32 v11, v5;
	[tilespmem:s0+$0xC40] =	vst v56;
	v60 =	vmul.f32 v4, v57  }
0x79: {  	v59 =	vsub.f32 $1.000000000e+00, v4;
	[tilespmem:s0+$0x1C40] =	vst v58;
	v63 =	vmul.f32 v4, v9  }
0x7a: {  	v61 =	vmul.f32 v4, v3;
	[tilespmem:s17+$0x13040] =	vst v60  }
0x7b: {  	v5 =	vmul.f32 v54, v5;
	v62 =	vmul.f32 v59, v9;
	[tilespmem:s17+$0x14040] =	vst v63  }
0x7c: {  	v3 =	vmul.f32 v59, v3;
	[tilespmem:s17+$0x14840] =	vst v61  }
0x7d: {  	v4 =	vmul.f32 v4, v5;
	[tilespmem:s17+$0x13C40] =	vst v62  }
0x7e: {  	v5 =	vmul.f32 v59, v5;
	[tilespmem:s17+$0x14440] =	vst v3  }
0x7f: {  	v3 =	vmul.f32 v59, v57;
	[tilespmem:s17+$0x13840] =	vst v4  }
0x80: {  	[tilespmem:s17+$0x13440] =	vst v5  }
0x81: {  	[tilespmem:s17+$0x12C40] =	vst v3;
	s17 =	simm.s32 $0x400  }
0x82: {  	[tilespmem:s18], [sflag:$0x1] =	stream.indirect.gather [hbm4b:s3+s16], $0x40, s17, s16, $0xb8;
	[tilespmem:$0x15440] =	vst v63  }
0x83: {  	s19 =	simm.s32 $0xC00  }
0x84: {  	[tilespmem:s20], [sflag:$0x1] =	stream.indirect.gather [hbm4b:s3+s16], $0x40, s19, s16, $0xb8;
	[tilespmem:$0x15440] =	vst v63  }
0x85: {  	s21 =	simm.s32 $0x1400  }
0x86: {  	[tilespmem:s22], [sflag:$0x1] =	stream.indirect.gather [hbm4b:s3+s16], $0x40, s21, s16, $0xb8;
	[tilespmem:$0x15440] =	vst v63  }
0x87: {  	s23 =	simm.s32 $0x1C00;
	s13 =	simm.s32 $0x0  }
0x88: {  	[tilespmem:s24], [sflag:$0x1] =	stream.indirect.gather [hbm4b:s3+s16], $0x40, s23, s16, $0xb8;
	[tilespmem:$0x15440] =	vst v63  }
.LBB2_4:
0x89: {  	s14 =	sshllo.u32 s13, $0x1  }
0x8a: {  	s0 =	sshll.u32 s14, $0x7  }
0x8b: {  	s15 =	sadd.s32 $0x400, s0  }
0x8c: {  	[tilespmem:s25], [sflag:$0x2] =	stream.indirect.gather [hbm4b:s3+s16], $0x40, s15, s16, $0xb8;
	[tilespmem:$0x15440] =	vst v63  }
0x8d: {  	s21 =	sadd.s32 $0xC00, s0  }
0x8e: {  	[tilespmem:s26], [sflag:$0x2] =	stream.indirect.gather [hbm4b:s3+s16], $0x40, s21, s16, $0xb8;
	[tilespmem:$0x15440] =	vst v63  }
0x8f: {  	s23 =	sadd.s32 $0x1400, s0  }
0x90: {  	[tilespmem:s28], [sflag:$0x2] =	stream.indirect.gather [hbm4b:s3+s16], $0x40, s23, s16, $0xb8;
	[tilespmem:$0x15440] =	vst v63  }
0x91: {  	s0 =	sadd.s32 $0x1C00, s0  }
0x92: {  	[tilespmem:s29], [sflag:$0x2] =	stream.indirect.gather [hbm4b:s3+s16], $0x40, s0, s16, $0xb8;
	[tilespmem:$0x15440] =	vst v63  }
0x93: {  	_ =	swait.ge [sflag:s30], $0x2000  }
0x94: {  	[sflag:s30] =	ssyncset.done $0x0  }
0x95: {  	[sflag:s30] =	ssyncadd.s32 $0xFFFFE000  }
0x96: {  	_ =	swait.ge [sflag:s30], $0x2000  }
0x97: {  	[sflag:s30] =	ssyncset.done $0x0  }
0x98: {  	[sflag:s30] =	ssyncadd.s32 $0xFFFFE000  }
0x99: {  	_ =	swait.ge [sflag:s30], $0x2000  }
0x9a: {  	[sflag:s30] =	ssyncset.done $0x0  }
0x9b: {  	[sflag:s30] =	ssyncadd.s32 $0xFFFFE000  }
0x9c: {  	_ =	swait.ge [sflag:s30], $0x2000  }
0x9d: {  	s15 =	sshll.u32 s13, $0x7;
	[sflag:s30] =	ssyncset.done $0x0  }
0x9e: {  	s17 =	simm.s32 $0x0;
	v3 =	vmov s15;
	[sflag:s30] =	ssyncadd.s32 $0xFFFFE000  }
.LBB2_5:
0x9f: {  	_ =	sdelay $0x2  }
0xa0: {  	s19 =	sshll.u32 s17, $0x4  }
0xa1: {  	v10 =	vld.idx.msk [tilespmem:v3+s19+$0x12C40 ss:$0x1], $0xffff  }
0xa2: {  	s0 =	simm.s32 $0x0;
	v4 =	vmov s19;
	v11 =	vld.idx.msk [tilespmem:v3+s19+$0x13040 ss:$0x1], $0xffff  }
0xa3: {  	v9 =	vld.idx.msk [tilespmem:v3+s19+$0x13440 ss:$0x1], $0xffff;
	v14 =	vmov s0;
	v4 =	vshll.u32 v4, $0x6  }
0xa4: {  	v8 =	vld.idx.msk [tilespmem:v3+s19+$0x13840 ss:$0x1], $0xffff;
	v5 =	vand.u32 $0x3C, v14;
	v12 =	vor.u32 v2, v4  }
0xa5: {  	v7 =	vld.idx.msk [tilespmem:v3+s19+$0x13C40 ss:$0x1], $0xffff;
	v13 =	vor.u32 v0, v4;
	v15 =	vor.u32 v12, v5  }
0xa6: {  	v6 =	vld.idx.msk [tilespmem:v3+s19+$0x14040 ss:$0x1], $0xffff;
	v16 =	vor.u32 v13, v5  }
0xa7: {  	v4 =	vld.idx.msk [tilespmem:v3+s19+$0x14840 ss:$0x1], $0xffff  }
0xa8: {  	v5 =	vld.idx.msk [tilespmem:v3+s19+$0x14440 ss:$0x1], $0xffff  }
0xa9: {  	v17 =	vld.idx.msk [tilespmem:v14+s11+$0x0], $0xffff  }
0xaa: {  	s23 =	simm.s32 $0x2;
	v14 =	vld.idx.msk [tilespmem:v15+s24+$0x0], $0xffff  }
0xab: {  	v18 =	vmov s23;
	v19 =	vld.idx.msk [tilespmem:v16+s24+$0x0], $0xffff  }
0xac: {  	v20 =	vand.u32 $0x3E, v18;
	v21 =	vld.idx.msk [tilespmem:v15+s22+$0x0], $0xffff  }
0xad: {  	v23 =	vor.u32 v13, v20;
	v22 =	vld.idx.msk [tilespmem:v16+s22+$0x0], $0xffff  }
0xae: {  	v20 =	vor.u32 v12, v20;
	v24 =	vld.idx.msk [tilespmem:v15+s20+$0x0], $0xffff  }
0xaf: {  	v25 =	vld.idx.msk [tilespmem:v16+s20+$0x0], $0xffff  }
0xb0: {  	s23 =	simm.s32 $0x1;
	v16 =	vld.idx.msk [tilespmem:v16+s18+$0x0], $0xffff  }
0xb1: {  	v28 =	vmov s23;
	v15 =	vld.idx.msk [tilespmem:v15+s18+$0x0], $0xffff  }
0xb2: {  	v31 =	vand.u32 $0x3D, v28;
	v29 =	vld.idx.msk [tilespmem:v23+s24+$0x0], $0xffff  }
0xb3: {  	s21 =	simm.s32 $0x3;
	v33 =	vor.u32 v13, v31;
	v32 =	vld.idx.msk [tilespmem:v20+s22+$0x0], $0xffff  }
0xb4: {  	v26 =	vmov s21;
	v34 =	vld.idx.msk [tilespmem:v23+s22+$0x0], $0xffff  }
0xb5: {  	v27 =	vand.u32 $0x3F, v26;
	v31 =	vor.u32 v12, v31;
	v35 =	vld.idx.msk [tilespmem:v20+s20+$0x0], $0xffff  }
0xb6: {  	v30 =	vor.u32 v13, v27;
	v36 =	vld.idx.msk [tilespmem:v23+s20+$0x0], $0xffff  }
0xb7: {  	v23 =	vld.idx.msk [tilespmem:v23+s18+$0x0], $0xffff  }
0xb8: {  	v27 =	vor.u32 v12, v27;
	v38 =	vld.idx.msk [tilespmem:v33+s18+$0x0], $0xffff  }
0xb9: {  	v40 =	vld.idx.msk [tilespmem:v20+s18+$0x0], $0xffff;
	v39 =	vmul.f32 v14, v4  }
0xba: {  	s21 =	simm.s32 $0x4;
	v14 =	vmul.f32 v21, v6;
	v21 =	vld.idx.msk [tilespmem:v31+s18+$0x0], $0xffff;
	v19 =	vmul.f32 v19, v5  }
0xbb: {  	v44 =	vmov s21;
	v37 =	vld.idx.msk [tilespmem:v30+s18+$0x0], $0xffff;
	v24 =	vmul.f32 v24, v8;
	v22 =	vmul.f32 v22, v7  }
0xbc: {  	v46 =	vand.u32 $0x3C, v44;
	v41 =	vld.idx.msk [tilespmem:v33+s20+$0x0], $0xffff;
	v16 =	vmul.f32 v16, v10;
	v25 =	vmul.f32 v25, v9  }
0xbd: {  	v48 =	vor.u32 v13, v46;
	v43 =	vld.idx.msk [tilespmem:v27+s18+$0x0], $0xffff;
	v15 =	vmul.f32 v15, v11;
	v29 =	vmul.f32 v29, v5  }
0xbe: {  	v57 =	vor.u32 v12, v46;
	v45 =	vld.idx.msk [tilespmem:v31+s20+$0x0], $0xffff;
	v23 =	vmul.f32 v23, v10;
	v40 =	vmul.f32 v40, v11  }
0xbf: {  	v47 =	vld.idx.msk [tilespmem:v30+s20+$0x0], $0xffff;
	v15 =	vadd.f32 v15, v16;
	v16 =	vmul.f32 v38, v10;
	v21 =	vmul.f32 v21, v11  }
0xc0: {  	v56 =	vld.idx.msk [tilespmem:v33+s22+$0x0], $0xffff;
	v34 =	vmul.f32 v34, v7;
	v36 =	vmul.f32 v36, v9;
	v23 =	vadd.f32 v40, v23  }
0xc1: {  	v49 =	vld.idx.msk [tilespmem:v27+s20+$0x0], $0xffff;
	v15 =	vadd.f32 v25, v15;
	v16 =	vadd.f32 v21, v16;
	v21 =	vmul.f32 v41, v9  }
0xc2: {  	v32 =	vmul.f32 v32, v6;
	v35 =	vmul.f32 v35, v8;
	v25 =	vld.idx.msk [tilespmem:v31+s22+$0x0], $0xffff;
	v23 =	vadd.f32 v36, v23  }
0xc3: {  	v58 =	vld.idx.msk [tilespmem:v30+s22+$0x0], $0xffff;
	v15 =	vadd.f32 v24, v15;
	v16 =	vadd.f32 v21, v16;
	v21 =	vmul.f32 v45, v8  }
0xc4: {  	v59 =	vmul.f32 v37, v10;
	v60 =	vmul.f32 v43, v11;
	v24 =	vld.idx.msk [tilespmem:v33+s24+$0x0], $0xffff;
	v23 =	vadd.f32 v35, v23  }
0xc5: {  	v61 =	vld.idx.msk [tilespmem:v27+s22+$0x0], $0xffff;
	v15 =	vadd.f32 v22, v15;
	v16 =	vadd.f32 v21, v16;
	v21 =	vmul.f32 v56, v7  }
0xc6: {  	v62 =	vmul.f32 v47, v9;
	v22 =	vld.idx.msk [tilespmem:v31+s24+$0x0], $0xffff;
	v31 =	vadd.f32 v60, v59;
	v23 =	vadd.f32 v34, v23  }
0xc7: {  	v30 =	vld.idx.msk [tilespmem:v30+s24+$0x0], $0xffff;
	v14 =	vadd.f32 v14, v15;
	v15 =	vadd.f32 v21, v16;
	v16 =	vmul.f32 v25, v6  }
0xc8: {  	v23 =	vadd.f32 v32, v23;
	v21 =	vld.idx.msk [tilespmem:v20+s24+$0x0], $0xffff;
	v20 =	vadd.f32 v62, v31;
	v25 =	vmul.f32 v49, v8  }
0xc9: {  	v18 =	vld.idx.msk [tilespmem:v18+s11+$0x0], $0xffff;
	v19 =	vadd.f32 v19, v14;
	v15 =	vadd.f32 v16, v15;
	v16 =	vmul.f32 v24, v5  }
0xca: {  	v27 =	vld.idx.msk [tilespmem:v27+s24+$0x0], $0xffff;
	v23 =	vadd.f32 v29, v23;
	v20 =	vadd.f32 v25, v20;
	v25 =	vmul.f32 v58, v7  }
0xcb: {  	v42 =	vimm.f32 $0.0e+00;
	v19 =	vadd.f32 v39, v19;
	v24 =	vld.idx.msk [tilespmem:v28+s11+$0x0], $0xffff;
	v15 =	vadd.f32 v16, v15  }
0xcc: {  	v14 =	vld.idx.msk [tilespmem:v44+s11+$0x0], $0xffff;
	v16 =	vmul.f32 v22, v4;
	v22 =	vadd.f32 v25, v20;
	v25 =	vmul.f32 v61, v6  }
0xcd: {  	s23 =	simm.s32 $0x6;
	v31 =	vld.idx.msk [tilespmem:v26+s11+$0x0], $0xffff;
	v26 =	vmul.f32 v30, v5;
	v17 =	vsub.f32 v19, v17;
	v19 =	vmul.f32 v21, v4  }
0xce: {  	v20 =	vld.idx.msk [tilespmem:v57+s24+$0x0], $0xffff;
	v16 =	vadd.f32 v16, v15;
	v15 =	vmov s23;
	v25 =	vadd.f32 v25, v22  }
0xcf: {  	v21 =	vld.idx.msk [tilespmem:v48+s24+$0x0], $0xffff;
	v17 =	vmul.f32 v17, v17;
	v19 =	vadd.f32 v19, v23;
	v29 =	vand.u32 $0x3E, v15  }
0xd0: {  	v22 =	vld.idx.msk [tilespmem:v57+s22+$0x0], $0xffff;
	v16 =	vsub.f32 v16, v24;
	v25 =	vadd.f32 v26, v25;
	v26 =	vmul.f32 v27, v4  }
0xd1: {  	v23 =	vld.idx.msk [tilespmem:v48+s22+$0x0], $0xffff;
	v27 =	vadd.f32 v17, v42;
	v28 =	vor.u32 v13, v29;
	v17 =	vor.u32 v12, v29  }
0xd2: {  	s21 =	simm.s32 $0x7;
	v24 =	vld.idx.msk [tilespmem:v57+s20+$0x0], $0xffff;
	v18 =	vsub.f32 v19, v18;
	v30 =	vmul.f32 v16, v16;
	v63 =	vadd.f32 v26, v25  }
0xd3: {  	v25 =	vld.idx.msk [tilespmem:v48+s20+$0x0], $0xffff;
	v16 =	vmov s21  }
0xd4: {  	s23 =	simm.s32 $0x5;
	v26 =	vld.idx.msk [tilespmem:v48+s18+$0x0], $0xffff;
	v29 =	vmul.f32 v18, v18;
	v19 =	vadd.f32 v30, v27;
	v31 =	vsub.f32 v63, v31  }
0xd5: {  	s19 =	sadd.s32 s15, s19;
	s21 =	simm.s32 $0x8;
	v18 =	vmov s23;
	v27 =	vld.idx.msk [tilespmem:v57+s18+$0x0], $0xffff;
	v30 =	vand.u32 $0x3F, v16  }
.LBB2_6:
0xd6: {  	p0 =	slt.u32 s21, $0x3C;
	v32 =	vld.idx.msk [tilespmem:v28+s24+$0x0], $0xffff;
	v33 =	vor.u32 v13, v30;
	v19 =	vadd.f32 v29, v19;
	v29 =	vmul.f32 v31, v31  }
0xd7: {  	v31 =	vand.u32 $0x3D, v18;
	v34 =	vld.idx.msk [tilespmem:v17+s22+$0x0], $0xffff  }
0xd8: {  	v35 =	vor.u32 v13, v31;
	v36 =	vld.idx.msk [tilespmem:v28+s22+$0x0], $0xffff;
	v19 =	vadd.f32 v29, v19  }
0xd9: {  	v29 =	vor.u32 v12, v31;
	v31 =	vld.idx.msk [tilespmem:v17+s20+$0x0], $0xffff  }
0xda: {  	v37 =	vld.idx.msk [tilespmem:v28+s20+$0x0], $0xffff  }
0xdb: {  	v38 =	vld.idx.msk [tilespmem:v33+s18+$0x0], $0xffff  }
0xdc: {  	v30 =	vor.u32 v12, v30;
	v28 =	vld.idx.msk [tilespmem:v28+s18+$0x0], $0xffff  }
0xdd: {  	v20 =	vmul.f32 v20, v4;
	v39 =	vld.idx.msk [tilespmem:v35+s18+$0x0], $0xffff  }
0xde: {  	v22 =	vmul.f32 v22, v6;
	v21 =	vmul.f32 v21, v5;
	v40 =	vld.idx.msk [tilespmem:v29+s18+$0x0], $0xffff  }
0xdf: {  	v23 =	vmul.f32 v23, v7;
	v24 =	vmul.f32 v24, v8;
	v41 =	vld.idx.msk [tilespmem:v17+s18+$0x0], $0xffff  }
0xe0: {  	v42 =	vmov s21;
	s0 =	sadd.s32 $0x2, s21;
	v25 =	vmul.f32 v25, v9;
	v26 =	vmul.f32 v26, v10;
	v43 =	vld.idx.msk [tilespmem:v35+s20+$0x0], $0xffff  }
0xe1: {  	v44 =	vmov s0;
	v27 =	vmul.f32 v27, v11;
	v32 =	vmul.f32 v32, v5;
	v45 =	vld.idx.msk [tilespmem:v30+s18+$0x0], $0xffff  }
0xe2: {  	v46 =	vand.u32 $0x3C, v42;
	v34 =	vmul.f32 v34, v6;
	v36 =	vmul.f32 v36, v7;
	v47 =	vld.idx.msk [tilespmem:v29+s20+$0x0], $0xffff  }
0xe3: {  	v48 =	vor.u32 v13, v46;
	v31 =	vmul.f32 v31, v8;
	v37 =	vmul.f32 v37, v9;
	v49 =	vld.idx.msk [tilespmem:v33+s20+$0x0], $0xffff  }
0xe4: {  	v26 =	vadd.f32 v27, v26;
	v27 =	vmul.f32 v39, v10;
	v39 =	vmul.f32 v40, v11;
	v40 =	vld.idx.msk [tilespmem:v35+s22+$0x0], $0xffff  }
0xe5: {  	v46 =	vor.u32 v12, v46;
	v28 =	vmul.f32 v28, v10;
	v41 =	vmul.f32 v41, v11;
	v50 =	vld.idx.msk [tilespmem:v30+s20+$0x0], $0xffff  }
0xe6: {  	v25 =	vadd.f32 v25, v26;
	v26 =	vadd.f32 v39, v27;
	v27 =	vmul.f32 v43, v9;
	v39 =	vld.idx.msk [tilespmem:v29+s22+$0x0], $0xffff  }
0xe7: {  	v38 =	vmul.f32 v38, v10;
	v28 =	vadd.f32 v41, v28;
	v41 =	vmul.f32 v45, v11;
	v43 =	vld.idx.msk [tilespmem:v33+s22+$0x0], $0xffff  }
0xe8: {  	v24 =	vadd.f32 v24, v25;
	v25 =	vadd.f32 v27, v26;
	v26 =	vmul.f32 v47, v8;
	v27 =	vld.idx.msk [tilespmem:v35+s24+$0x0], $0xffff  }
0xe9: {  	v28 =	vadd.f32 v37, v28;
	v35 =	vadd.f32 v41, v38;
	v37 =	vmul.f32 v49, v9;
	v38 =	vld.idx.msk [tilespmem:v30+s22+$0x0], $0xffff  }
0xea: {  	v23 =	vadd.f32 v23, v24;
	v24 =	vadd.f32 v26, v25;
	v25 =	vmul.f32 v40, v7;
	v26 =	vld.idx.msk [tilespmem:v29+s24+$0x0], $0xffff  }
0xeb: {  	v28 =	vadd.f32 v31, v28;
	v29 =	vadd.f32 v37, v35;
	v31 =	vmul.f32 v50, v8;
	v33 =	vld.idx.msk [tilespmem:v33+s24+$0x0], $0xffff  }
0xec: {  	v22 =	vadd.f32 v22, v23;
	v23 =	vadd.f32 v25, v24;
	v24 =	vmul.f32 v39, v6;
	v17 =	vld.idx.msk [tilespmem:v17+s24+$0x0], $0xffff  }
0xed: {  	v25 =	vadd.f32 v36, v28;
	v28 =	vadd.f32 v31, v29;
	v29 =	vmul.f32 v43, v7;
	v30 =	vld.idx.msk [tilespmem:v30+s24+$0x0], $0xffff  }
0xee: {  	v21 =	vadd.f32 v21, v22;
	v22 =	vadd.f32 v24, v23;
	v23 =	vmul.f32 v27, v5;
	v18 =	vld.idx.msk [tilespmem:v18+s11+$0x0], $0xffff  }
0xef: {  	v24 =	vadd.f32 v34, v25;
	v25 =	vadd.f32 v29, v28;
	v28 =	vmul.f32 v38, v6;
	v27 =	vld.idx.msk [tilespmem:v42+s11+$0x0], $0xffff  }
0xf0: {  	v21 =	vadd.f32 v20, v21;
	v22 =	vadd.f32 v23, v22;
	v23 =	vmul.f32 v26, v4;
	v26 =	vld.idx.msk [tilespmem:v15+s11+$0x0], $0xffff  }
0xf1: {  	v24 =	vadd.f32 v32, v24;
	v28 =	vadd.f32 v28, v25;
	v25 =	vmul.f32 v33, v5;
	v31 =	vld.idx.msk [tilespmem:v16+s11+$0x0], $0xffff  }
0xf2: {  	v14 =	vsub.f32 v21, v14;
	v16 =	vadd.f32 v23, v22;
	v17 =	vmul.f32 v17, v4;
	v20 =	vld.idx.msk [tilespmem:v46+s24+$0x0], $0xffff  }
0xf3: {  	v29 =	vand.u32 $0x3E, v44;
	v15 =	vmovc v44;
	v25 =	vadd.f32 v25, v28;
	v30 =	vmul.f32 v30, v4;
	v21 =	vld.idx.msk [tilespmem:v48+s24+$0x0], $0xffff  }
0xf4: {  	v32 =	vmul.f32 v14, v14;
	v16 =	vsub.f32 v16, v18;
	v18 =	vadd.f32 v17, v24;
	v22 =	vld.idx.msk [tilespmem:v46+s22+$0x0], $0xffff  }
.Ltmp1:
0xf5: {  	v28 =	vor.u32 v13, v29;
	v17 =	vor.u32 v12, v29;
	v30 =	vadd.f32 v30, v25;
	v23 =	vld.idx.msk [tilespmem:v48+s22+$0x0], $0xffff;
	(pc) =	sbr.rel @p0 .LBB2_6-.Ltmp1, $4  }
0xf6: {  	s0 =	sadd.s32 $0x3, s21;
	v19 =	vadd.f32 v32, v19;
	v29 =	vmul.f32 v16, v16;
	v18 =	vsub.f32 v18, v26;
	v24 =	vld.idx.msk [tilespmem:v46+s20+$0x0], $0xffff  }
0xf7: {  	v14 =	vmov v27;
	v16 =	vmov s0;
	v25 =	vld.idx.msk [tilespmem:v48+s20+$0x0], $0xffff  }
0xf8: {  	s0 =	sadd.s32 $0x1, s21;
	v31 =	vsub.f32 v30, v31;
	v19 =	vadd.f32 v29, v19;
	v29 =	vmul.f32 v18, v18;
	v26 =	vld.idx.msk [tilespmem:v48+s18+$0x0], $0xffff  }
0xf9: {  	s21 =	sadd.s32 $0x4, s21;
	v30 =	vand.u32 $0x3F, v16;
	v18 =	vmov s0;
	v27 =	vld.idx.msk [tilespmem:v46+s18+$0x0], $0xffff  }
0xfa: {  	_ =	sdelay $0x3  }
0xfb: {  	v32 =	vld.idx.msk [tilespmem:v28+s24+$0x0], $0xffff  }
0xfc: {  	v35 =	vld.idx.msk [tilespmem:v17+s22+$0x0], $0xffff  }
0xfd: {  	v33 =	vor.u32 v13, v30;
	v34 =	vand.u32 $0x3D, v18;
	v36 =	vld.idx.msk [tilespmem:v28+s22+$0x0], $0xffff  }
0xfe: {  	v37 =	vld.idx.msk [tilespmem:v17+s20+$0x0], $0xffff;
	v62 =	vor.u32 v13, v34  }
0xff: {  	v38 =	vld.idx.msk [tilespmem:v28+s20+$0x0], $0xffff;
	v34 =	vor.u32 v12, v34  }
0x100: {  	v63 =	vld.idx.msk [tilespmem:v28+s18+$0x0], $0xffff  }
0x101: {  	v41 =	vld.idx.msk [tilespmem:v17+s18+$0x0], $0xffff  }
0x102: {  	v31 =	vmul.f32 v31, v31;
	v12 =	vor.u32 v12, v30;
	v39 =	vld.idx.msk [tilespmem:v33+s18+$0x0], $0xffff  }
0x103: {  	v20 =	vmul.f32 v20, v4;
	v22 =	vmul.f32 v22, v6;
	v48 =	vld.idx.msk [tilespmem:v62+s18+$0x0], $0xffff  }
0x104: {  	v21 =	vmul.f32 v21, v5;
	v23 =	vmul.f32 v23, v7;
	v40 =	vld.idx.msk [tilespmem:v34+s18+$0x0], $0xffff  }
0x105: {  	v24 =	vmul.f32 v24, v8;
	v25 =	vmul.f32 v25, v9;
	v49 =	vld.idx.msk [tilespmem:v33+s20+$0x0], $0xffff  }
0x106: {  	v26 =	vmul.f32 v26, v10;
	v27 =	vmul.f32 v27, v11;
	v42 =	vld.idx.msk [tilespmem:v62+s20+$0x0], $0xffff  }
0x107: {  	v32 =	vmul.f32 v32, v5;
	v36 =	vmul.f32 v36, v7;
	v43 =	vld.idx.msk [tilespmem:v12+s18+$0x0], $0xffff  }
0x108: {  	v35 =	vmul.f32 v35, v6;
	v38 =	vmul.f32 v38, v9;
	v44 =	vld.idx.msk [tilespmem:v34+s20+$0x0], $0xffff;
	v26 =	vadd.f32 v27, v26  }
0x109: {  	v19 =	vadd.f32 v29, v19;
	v56 =	vld.idx.msk [tilespmem:v33+s22+$0x0], $0xffff;
	v30 =	vmul.f32 v48, v10;
	v40 =	vmul.f32 v40, v11  }
0x10a: {  	v28 =	vmul.f32 v63, v10;
	v41 =	vmul.f32 v41, v11;
	v50 =	vld.idx.msk [tilespmem:v62+s22+$0x0], $0xffff;
	v25 =	vadd.f32 v25, v26  }
0x10b: {  	v37 =	vmul.f32 v37, v8;
	v51 =	vld.idx.msk [tilespmem:v12+s20+$0x0], $0xffff;
	v52 =	vmul.f32 v42, v9;
	v30 =	vadd.f32 v40, v30  }
0x10c: {  	v53 =	vld.idx.msk [tilespmem:v34+s22+$0x0], $0xffff;
	v28 =	vadd.f32 v41, v28;
	v54 =	vmul.f32 v39, v10;
	v24 =	vadd.f32 v24, v25  }
0x10d: {  	v13 =	vld.idx.msk [tilespmem:v62+s24+$0x0], $0xffff;
	v55 =	vmul.f32 v43, v11;
	v58 =	vmul.f32 v44, v8;
	v57 =	vadd.f32 v52, v30  }
0x10e: {  	v60 =	vld.idx.msk [tilespmem:v12+s22+$0x0], $0xffff;
	v28 =	vadd.f32 v38, v28;
	v59 =	vmul.f32 v49, v9;
	v23 =	vadd.f32 v23, v24  }
0x10f: {  	v63 =	vld.idx.msk [tilespmem:v34+s24+$0x0], $0xffff;
	v62 =	vmul.f32 v50, v7;
	v10 =	vadd.f32 v55, v54;
	v61 =	vadd.f32 v58, v57  }
0x110: {  	v28 =	vadd.f32 v37, v28;
	v29 =	vmul.f32 v51, v8;
	v37 =	vld.idx.msk [tilespmem:v17+s24+$0x0], $0xffff;
	v22 =	vadd.f32 v22, v23  }
0x111: {  	v34 =	vmul.f32 v53, v6;
	v9 =	vadd.f32 v59, v10;
	v30 =	vld.idx.msk [tilespmem:v33+s24+$0x0], $0xffff;
	v33 =	vadd.f32 v62, v61  }
0x112: {  	v13 =	vmul.f32 v13, v5;
	v38 =	vadd.f32 v36, v28;
	v42 =	vadd.f32 v21, v22  }
0x113: {  	v41 =	vld.idx.msk [tilespmem:v12+s24+$0x0], $0xffff;
	v40 =	vmul.f32 v56, v7;
	v8 =	vadd.f32 v29, v9;
	v43 =	vadd.f32 v34, v33  }
0x114: {  	v44 =	vld.idx.msk [tilespmem:v18+s11+$0x0], $0xffff;
	v46 =	vmul.f32 v60, v6;
	v45 =	vadd.f32 v35, v38;
	v47 =	vadd.f32 v20, v42  }
0x115: {  	v49 =	vmul.f32 v63, v4;
	v50 =	vld.idx.msk [tilespmem:v15+s11+$0x0], $0xffff;
	v7 =	vadd.f32 v40, v8;
	v48 =	vadd.f32 v13, v43  }
0x116: {  	v54 =	vmul.f32 v37, v4;
	v51 =	vadd.f32 v32, v45;
	v52 =	vsub.f32 v47, v14  }
0x117: {  	v5 =	vmul.f32 v30, v5;
	v6 =	vadd.f32 v46, v7;
	v53 =	vadd.f32 v49, v48  }
0x118: {  	v55 =	vadd.f32 v31, v19;
	v56 =	vld.idx.msk [tilespmem:v16+s11+$0x0], $0xffff;
	v4 =	vmul.f32 v41, v4;
	v59 =	vadd.f32 v54, v51  }
0x119: {  	v57 =	vmul.f32 v52, v52;
	v5 =	vadd.f32 v5, v6;
	v58 =	vsub.f32 v53, v44  }
0x11a: {  	v61 =	vsub.f32 v59, v50  }
0x11b: {  	v4 =	vadd.f32 v4, v5;
	v5 =	vadd.f32 v57, v55;
	v60 =	vmul.f32 v58, v58;
	_ =	sdelay $0x1  }
0x11c: {  	v62 =	vmul.f32 v61, v61;
	v4 =	vsub.f32 v4, v56;
	v5 =	vadd.f32 v60, v5;
	_ =	sdelay $0x1  }
0x11d: {  	v4 =	vmul.f32 v4, v4;
	v5 =	vadd.f32 v62, v5  }
0x11e: {  	v63 =	vld [tilespmem:s19+$0x2400]  }
0x11f: {  	v4 =	vadd.f32 v4, v5;
	_ =	sdelay $0x1  }
0x120: {  	v4 =	vmul.f32 $-7.812500000e-03, v4;
	_ =	sdelay $0x1  }
0x121: {  	v4 =	vadd.f32 v4, v63;
	_ =	sdelay $0x1  }
0x122: {  	v4 =	vmul.f32 $1.442695020e+00, v4;
	_ =	sdelay $0x1  }
0x123: {  	(erf) = vpow2.f32 v4;
	_ =	sdelay $0x3  }
0x124: {  	s17 =	sadd.s32 $0x1, s17  }
0x125: {  	p0 =	sne.s32 s17, $0x4  }
.Ltmp2:
0x126: {  	_ = 	snop;
	(pc) =	sbr.rel @p0 .LBB2_5-.Ltmp2, $3  }
0x127: {  	_ =	sdelay $0x1  }
0x128: {  	v4 =	vpop (erf)  }
0x129: {  	[tilespmem:s19+$0x12840] =	vst v4  }
0x12a: {  	p0 =	seq.s32 s13, $0x7  }
0x12b: {  	s0 =	sshll.u32 @!p0 s13, $0x8  }
0x12c: {  	s17 =	simm.s32 @!p0 $0x80;
	s19 =	simm.s32 @!p0 $0x2840;
	s15 =	sadd.s32 @!p0 $0x500, s0  }
0x12d: {  	[tilespmem:s19], [sflag:$0x1] =	stream.indirect.gather @!p0 [hbm4b:s3+s17], $0x40, s15, s17, $0xb8;
	[tilespmem:$0x15440] =	vst v63  }
0x12e: {  	s15 =	sadd.s32 @!p0 $0xD00, s0;
	s19 =	simm.s32 @!p0 $0x4840  }
0x12f: {  	[tilespmem:s19], [sflag:$0x1] =	stream.indirect.gather @!p0 [hbm4b:s3+s17], $0x40, s15, s17, $0xb8;
	[tilespmem:$0x15440] =	vst v63  }
0x130: {  	s15 =	sadd.s32 @!p0 $0x1500, s0;
	s19 =	simm.s32 @!p0 $0x6840  }
0x131: {  	[tilespmem:s19], [sflag:$0x1] =	stream.indirect.gather @!p0 [hbm4b:s3+s17], $0x40, s15, s17, $0xb8;
	[tilespmem:$0x15440] =	vst v63  }
0x132: {  	s0 =	sadd.s32 @!p0 $0x1D00, s0;
	s15 =	simm.s32 @!p0 $0x8840  }
0x133: {  	[tilespmem:s15], [sflag:$0x1] =	stream.indirect.gather @!p0 [hbm4b:s3+s17], $0x40, s0, s17, $0xb8;
	[tilespmem:$0x15440] =	vst v63  }
0x134: {  	_ =	swait.ge [sflag:s31], $0x2000  }
0x135: {  	[sflag:s31] =	ssyncset.done $0x0  }
0x136: {  	[sflag:s31] =	ssyncadd.s32 $0xFFFFE000  }
0x137: {  	_ =	swait.ge [sflag:s31], $0x2000  }
0x138: {  	[sflag:s31] =	ssyncset.done $0x0  }
0x139: {  	[sflag:s31] =	ssyncadd.s32 $0xFFFFE000  }
0x13a: {  	_ =	swait.ge [sflag:s31], $0x2000  }
0x13b: {  	[sflag:s31] =	ssyncset.done $0x0  }
0x13c: {  	[sflag:s31] =	ssyncadd.s32 $0xFFFFE000  }
0x13d: {  	_ =	swait.ge [sflag:s31], $0x2000  }
0x13e: {  	s14 =	sshll.u32 s14, $0x6;
	[sflag:s31] =	ssyncset.done $0x0  }
0x13f: {  	v3 =	vmov s14;
	s15 =	simm.s32 $0x0;
	s17 =	simm.s32 $0x0;
	[sflag:s31] =	ssyncadd.s32 $0xFFFFE000  }
.LBB2_9:
0x140: {  	_ =	sdelay $0x2  }
0x141: {  	s19 =	sshll.u32 s17, $0x4  }
0x142: {  	v10 =	vld.idx.msk [tilespmem:v3+s19+$0x12C40 ss:$0x1], $0xffff  }
0x143: {  	v4 =	vmov s19;
	v11 =	vld.idx.msk [tilespmem:v3+s19+$0x13040 ss:$0x1], $0xffff  }
0x144: {  	v14 =	vmov s15;
	v9 =	vld.idx.msk [tilespmem:v3+s19+$0x13440 ss:$0x1], $0xffff;
	v4 =	vshll.u32 v4, $0x6  }
0x145: {  	v8 =	vld.idx.msk [tilespmem:v3+s19+$0x13840 ss:$0x1], $0xffff;
	v5 =	vand.u32 $0x3C, v14;
	v12 =	vor.u32 v2, v4  }
0x146: {  	v7 =	vld.idx.msk [tilespmem:v3+s19+$0x13C40 ss:$0x1], $0xffff;
	v13 =	vor.u32 v0, v4;
	v15 =	vor.u32 v12, v5  }
0x147: {  	v6 =	vld.idx.msk [tilespmem:v3+s19+$0x14040 ss:$0x1], $0xffff;
	v16 =	vor.u32 v13, v5  }
0x148: {  	v4 =	vld.idx.msk [tilespmem:v3+s19+$0x14840 ss:$0x1], $0xffff  }
0x149: {  	v5 =	vld.idx.msk [tilespmem:v3+s19+$0x14440 ss:$0x1], $0xffff  }
0x14a: {  	v17 =	vld.idx.msk [tilespmem:v14+s11+$0x0], $0xffff  }
0x14b: {  	s0 =	simm.s32 $0x2;
	v14 =	vld.idx.msk [tilespmem:v15+s29+$0x0], $0xffff  }
0x14c: {  	v18 =	vmov s0;
	v19 =	vld.idx.msk [tilespmem:v16+s29+$0x0], $0xffff  }
0x14d: {  	v20 =	vand.u32 $0x3E, v18;
	v21 =	vld.idx.msk [tilespmem:v15+s28+$0x0], $0xffff  }
0x14e: {  	v23 =	vor.u32 v13, v20;
	v22 =	vld.idx.msk [tilespmem:v16+s28+$0x0], $0xffff  }
0x14f: {  	v20 =	vor.u32 v12, v20;
	v24 =	vld.idx.msk [tilespmem:v15+s26+$0x0], $0xffff  }
0x150: {  	v25 =	vld.idx.msk [tilespmem:v16+s26+$0x0], $0xffff  }
0x151: {  	s23 =	simm.s32 $0x1;
	v16 =	vld.idx.msk [tilespmem:v16+s25+$0x0], $0xffff  }
0x152: {  	v28 =	vmov s23;
	v15 =	vld.idx.msk [tilespmem:v15+s25+$0x0], $0xffff  }
0x153: {  	v31 =	vand.u32 $0x3D, v28;
	v29 =	vld.idx.msk [tilespmem:v23+s29+$0x0], $0xffff  }
0x154: {  	s21 =	simm.s32 $0x3;
	v33 =	vor.u32 v13, v31;
	v32 =	vld.idx.msk [tilespmem:v20+s28+$0x0], $0xffff  }
0x155: {  	v26 =	vmov s21;
	v34 =	vld.idx.msk [tilespmem:v23+s28+$0x0], $0xffff  }
0x156: {  	v27 =	vand.u32 $0x3F, v26;
	v31 =	vor.u32 v12, v31;
	v35 =	vld.idx.msk [tilespmem:v20+s26+$0x0], $0xffff  }
0x157: {  	v30 =	vor.u32 v13, v27;
	v36 =	vld.idx.msk [tilespmem:v23+s26+$0x0], $0xffff  }
0x158: {  	v23 =	vld.idx.msk [tilespmem:v23+s25+$0x0], $0xffff  }
0x159: {  	v27 =	vor.u32 v12, v27;
	v38 =	vld.idx.msk [tilespmem:v33+s25+$0x0], $0xffff  }
0x15a: {  	v40 =	vld.idx.msk [tilespmem:v20+s25+$0x0], $0xffff;
	v39 =	vmul.f32 v14, v4  }
0x15b: {  	s21 =	simm.s32 $0x4;
	v14 =	vmul.f32 v21, v6;
	v21 =	vld.idx.msk [tilespmem:v31+s25+$0x0], $0xffff;
	v19 =	vmul.f32 v19, v5  }
0x15c: {  	v44 =	vmov s21;
	v37 =	vld.idx.msk [tilespmem:v30+s25+$0x0], $0xffff;
	v24 =	vmul.f32 v24, v8;
	v22 =	vmul.f32 v22, v7  }
0x15d: {  	v46 =	vand.u32 $0x3C, v44;
	v41 =	vld.idx.msk [tilespmem:v33+s26+$0x0], $0xffff;
	v16 =	vmul.f32 v16, v10;
	v25 =	vmul.f32 v25, v9  }
0x15e: {  	v48 =	vor.u32 v13, v46;
	v43 =	vld.idx.msk [tilespmem:v27+s25+$0x0], $0xffff;
	v15 =	vmul.f32 v15, v11;
	v29 =	vmul.f32 v29, v5  }
0x15f: {  	v57 =	vor.u32 v12, v46;
	v45 =	vld.idx.msk [tilespmem:v31+s26+$0x0], $0xffff;
	v23 =	vmul.f32 v23, v10;
	v40 =	vmul.f32 v40, v11  }
0x160: {  	v47 =	vld.idx.msk [tilespmem:v30+s26+$0x0], $0xffff;
	v15 =	vadd.f32 v15, v16;
	v16 =	vmul.f32 v38, v10;
	v21 =	vmul.f32 v21, v11  }
0x161: {  	v56 =	vld.idx.msk [tilespmem:v33+s28+$0x0], $0xffff;
	v34 =	vmul.f32 v34, v7;
	v36 =	vmul.f32 v36, v9;
	v23 =	vadd.f32 v40, v23  }
0x162: {  	v49 =	vld.idx.msk [tilespmem:v27+s26+$0x0], $0xffff;
	v15 =	vadd.f32 v25, v15;
	v16 =	vadd.f32 v21, v16;
	v21 =	vmul.f32 v41, v9  }
0x163: {  	v32 =	vmul.f32 v32, v6;
	v35 =	vmul.f32 v35, v8;
	v25 =	vld.idx.msk [tilespmem:v31+s28+$0x0], $0xffff;
	v23 =	vadd.f32 v36, v23  }
0x164: {  	v58 =	vld.idx.msk [tilespmem:v30+s28+$0x0], $0xffff;
	v15 =	vadd.f32 v24, v15;
	v16 =	vadd.f32 v21, v16;
	v21 =	vmul.f32 v45, v8  }
0x165: {  	v59 =	vmul.f32 v37, v10;
	v60 =	vmul.f32 v43, v11;
	v24 =	vld.idx.msk [tilespmem:v33+s29+$0x0], $0xffff;
	v23 =	vadd.f32 v35, v23  }
0x166: {  	v61 =	vld.idx.msk [tilespmem:v27+s28+$0x0], $0xffff;
	v15 =	vadd.f32 v22, v15;
	v16 =	vadd.f32 v21, v16;
	v21 =	vmul.f32 v56, v7  }
0x167: {  	v62 =	vmul.f32 v47, v9;
	v22 =	vld.idx.msk [tilespmem:v31+s29+$0x0], $0xffff;
	v31 =	vadd.f32 v60, v59;
	v23 =	vadd.f32 v34, v23  }
0x168: {  	v30 =	vld.idx.msk [tilespmem:v30+s29+$0x0], $0xffff;
	v14 =	vadd.f32 v14, v15;
	v15 =	vadd.f32 v21, v16;
	v16 =	vmul.f32 v25, v6  }
0x169: {  	v23 =	vadd.f32 v32, v23;
	v21 =	vld.idx.msk [tilespmem:v20+s29+$0x0], $0xffff;
	v20 =	vadd.f32 v62, v31;
	v25 =	vmul.f32 v49, v8  }
0x16a: {  	v18 =	vld.idx.msk [tilespmem:v18+s11+$0x0], $0xffff;
	v19 =	vadd.f32 v19, v14;
	v15 =	vadd.f32 v16, v15;
	v16 =	vmul.f32 v24, v5  }
0x16b: {  	v27 =	vld.idx.msk [tilespmem:v27+s29+$0x0], $0xffff;
	v23 =	vadd.f32 v29, v23;
	v20 =	vadd.f32 v25, v20;
	v25 =	vmul.f32 v58, v7  }
0x16c: {  	v42 =	vimm.f32 $0.0e+00;
	v19 =	vadd.f32 v39, v19;
	v24 =	vld.idx.msk [tilespmem:v28+s11+$0x0], $0xffff;
	v15 =	vadd.f32 v16, v15  }
0x16d: {  	v14 =	vld.idx.msk [tilespmem:v44+s11+$0x0], $0xffff;
	v16 =	vmul.f32 v22, v4;
	v22 =	vadd.f32 v25, v20;
	v25 =	vmul.f32 v61, v6  }
0x16e: {  	s23 =	simm.s32 $0x6;
	v31 =	vld.idx.msk [tilespmem:v26+s11+$0x0], $0xffff;
	v26 =	vmul.f32 v30, v5;
	v17 =	vsub.f32 v19, v17;
	v19 =	vmul.f32 v21, v4  }
0x16f: {  	v20 =	vld.idx.msk [tilespmem:v57+s29+$0x0], $0xffff;
	v16 =	vadd.f32 v16, v15;
	v15 =	vmov s23;
	v25 =	vadd.f32 v25, v22  }
0x170: {  	v21 =	vld.idx.msk [tilespmem:v48+s29+$0x0], $0xffff;
	v17 =	vmul.f32 v17, v17;
	v19 =	vadd.f32 v19, v23;
	v29 =	vand.u32 $0x3E, v15  }
0x171: {  	v22 =	vld.idx.msk [tilespmem:v57+s28+$0x0], $0xffff;
	v16 =	vsub.f32 v16, v24;
	v25 =	vadd.f32 v26, v25;
	v26 =	vmul.f32 v27, v4  }
0x172: {  	v23 =	vld.idx.msk [tilespmem:v48+s28+$0x0], $0xffff;
	v27 =	vadd.f32 v17, v42;
	v28 =	vor.u32 v13, v29;
	v17 =	vor.u32 v12, v29  }
0x173: {  	s21 =	simm.s32 $0x7;
	v24 =	vld.idx.msk [tilespmem:v57+s26+$0x0], $0xffff;
	v18 =	vsub.f32 v19, v18;
	v30 =	vmul.f32 v16, v16;
	v63 =	vadd.f32 v26, v25  }
0x174: {  	v25 =	vld.idx.msk [tilespmem:v48+s26+$0x0], $0xffff;
	v16 =	vmov s21  }
0x175: {  	s23 =	simm.s32 $0x5;
	v26 =	vld.idx.msk [tilespmem:v48+s25+$0x0], $0xffff;
	v29 =	vmul.f32 v18, v18;
	v19 =	vadd.f32 v30, v27;
	v31 =	vsub.f32 v63, v31  }
0x176: {  	s19 =	sadd.s32 s14, s19;
	s21 =	simm.s32 $0x8;
	v18 =	vmov s23;
	v27 =	vld.idx.msk [tilespmem:v57+s25+$0x0], $0xffff;
	v30 =	vand.u32 $0x3F, v16  }
.LBB2_10:
0x177: {  	p0 =	slt.u32 s21, $0x3C;
	v32 =	vld.idx.msk [tilespmem:v28+s29+$0x0], $0xffff;
	v33 =	vor.u32 v13, v30;
	v19 =	vadd.f32 v29, v19;
	v29 =	vmul.f32 v31, v31  }
0x178: {  	v31 =	vand.u32 $0x3D, v18;
	v34 =	vld.idx.msk [tilespmem:v17+s28+$0x0], $0xffff  }
0x179: {  	v35 =	vor.u32 v13, v31;
	v36 =	vld.idx.msk [tilespmem:v28+s28+$0x0], $0xffff;
	v19 =	vadd.f32 v29, v19  }
0x17a: {  	v29 =	vor.u32 v12, v31;
	v31 =	vld.idx.msk [tilespmem:v17+s26+$0x0], $0xffff  }
0x17b: {  	v37 =	vld.idx.msk [tilespmem:v28+s26+$0x0], $0xffff  }
0x17c: {  	v38 =	vld.idx.msk [tilespmem:v33+s25+$0x0], $0xffff  }
0x17d: {  	v30 =	vor.u32 v12, v30;
	v28 =	vld.idx.msk [tilespmem:v28+s25+$0x0], $0xffff  }
0x17e: {  	v20 =	vmul.f32 v20, v4;
	v39 =	vld.idx.msk [tilespmem:v35+s25+$0x0], $0xffff  }
0x17f: {  	v22 =	vmul.f32 v22, v6;
	v21 =	vmul.f32 v21, v5;
	v40 =	vld.idx.msk [tilespmem:v29+s25+$0x0], $0xffff  }
0x180: {  	v23 =	vmul.f32 v23, v7;
	v24 =	vmul.f32 v24, v8;
	v41 =	vld.idx.msk [tilespmem:v17+s25+$0x0], $0xffff  }
0x181: {  	v42 =	vmov s21;
	s0 =	sadd.s32 $0x2, s21;
	v25 =	vmul.f32 v25, v9;
	v26 =	vmul.f32 v26, v10;
	v43 =	vld.idx.msk [tilespmem:v35+s26+$0x0], $0xffff  }
0x182: {  	v44 =	vmov s0;
	v27 =	vmul.f32 v27, v11;
	v32 =	vmul.f32 v32, v5;
	v45 =	vld.idx.msk [tilespmem:v30+s25+$0x0], $0xffff  }
0x183: {  	v46 =	vand.u32 $0x3C, v42;
	v34 =	vmul.f32 v34, v6;
	v36 =	vmul.f32 v36, v7;
	v47 =	vld.idx.msk [tilespmem:v29+s26+$0x0], $0xffff  }
0x184: {  	v48 =	vor.u32 v13, v46;
	v31 =	vmul.f32 v31, v8;
	v37 =	vmul.f32 v37, v9;
	v49 =	vld.idx.msk [tilespmem:v33+s26+$0x0], $0xffff  }
0x185: {  	v26 =	vadd.f32 v27, v26;
	v27 =	vmul.f32 v39, v10;
	v39 =	vmul.f32 v40, v11;
	v40 =	vld.idx.msk [tilespmem:v35+s28+$0x0], $0xffff  }
0x186: {  	v46 =	vor.u32 v12, v46;
	v28 =	vmul.f32 v28, v10;
	v41 =	vmul.f32 v41, v11;
	v50 =	vld.idx.msk [tilespmem:v30+s26+$0x0], $0xffff  }
0x187: {  	v25 =	vadd.f32 v25, v26;
	v26 =	vadd.f32 v39, v27;
	v27 =	vmul.f32 v43, v9;
	v39 =	vld.idx.msk [tilespmem:v29+s28+$0x0], $0xffff  }
0x188: {  	v38 =	vmul.f32 v38, v10;
	v28 =	vadd.f32 v41, v28;
	v41 =	vmul.f32 v45, v11;
	v43 =	vld.idx.msk [tilespmem:v33+s28+$0x0], $0xffff  }
0x189: {  	v24 =	vadd.f32 v24, v25;
	v25 =	vadd.f32 v27, v26;
	v26 =	vmul.f32 v47, v8;
	v27 =	vld.idx.msk [tilespmem:v35+s29+$0x0], $0xffff  }
0x18a: {  	v28 =	vadd.f32 v37, v28;
	v35 =	vadd.f32 v41, v38;
	v37 =	vmul.f32 v49, v9;
	v38 =	vld.idx.msk [tilespmem:v30+s28+$0x0], $0xffff  }
0x18b: {  	v23 =	vadd.f32 v23, v24;
	v24 =	vadd.f32 v26, v25;
	v25 =	vmul.f32 v40, v7;
	v26 =	vld.idx.msk [tilespmem:v29+s29+$0x0], $0xffff  }
0x18c: {  	v28 =	vadd.f32 v31, v28;
	v29 =	vadd.f32 v37, v35;
	v31 =	vmul.f32 v50, v8;
	v33 =	vld.idx.msk [tilespmem:v33+s29+$0x0], $0xffff  }
0x18d: {  	v22 =	vadd.f32 v22, v23;
	v23 =	vadd.f32 v25, v24;
	v24 =	vmul.f32 v39, v6;
	v17 =	vld.idx.msk [tilespmem:v17+s29+$0x0], $0xffff  }
0x18e: {  	v25 =	vadd.f32 v36, v28;
	v28 =	vadd.f32 v31, v29;
	v29 =	vmul.f32 v43, v7;
	v30 =	vld.idx.msk [tilespmem:v30+s29+$0x0], $0xffff  }
0x18f: {  	v21 =	vadd.f32 v21, v22;
	v22 =	vadd.f32 v24, v23;
	v23 =	vmul.f32 v27, v5;
	v18 =	vld.idx.msk [tilespmem:v18+s11+$0x0], $0xffff  }
0x190: {  	v24 =	vadd.f32 v34, v25;
	v25 =	vadd.f32 v29, v28;
	v28 =	vmul.f32 v38, v6;
	v27 =	vld.idx.msk [tilespmem:v42+s11+$0x0], $0xffff  }
0x191: {  	v21 =	vadd.f32 v20, v21;
	v22 =	vadd.f32 v23, v22;
	v23 =	vmul.f32 v26, v4;
	v26 =	vld.idx.msk [tilespmem:v15+s11+$0x0], $0xffff  }
0x192: {  	v24 =	vadd.f32 v32, v24;
	v28 =	vadd.f32 v28, v25;
	v25 =	vmul.f32 v33, v5;
	v31 =	vld.idx.msk [tilespmem:v16+s11+$0x0], $0xffff  }
0x193: {  	v14 =	vsub.f32 v21, v14;
	v16 =	vadd.f32 v23, v22;
	v17 =	vmul.f32 v17, v4;
	v20 =	vld.idx.msk [tilespmem:v46+s29+$0x0], $0xffff  }
0x194: {  	v29 =	vand.u32 $0x3E, v44;
	v15 =	vmovc v44;
	v25 =	vadd.f32 v25, v28;
	v30 =	vmul.f32 v30, v4;
	v21 =	vld.idx.msk [tilespmem:v48+s29+$0x0], $0xffff  }
0x195: {  	v32 =	vmul.f32 v14, v14;
	v16 =	vsub.f32 v16, v18;
	v18 =	vadd.f32 v17, v24;
	v22 =	vld.idx.msk [tilespmem:v46+s28+$0x0], $0xffff  }
.Ltmp3:
0x196: {  	v28 =	vor.u32 v13, v29;
	v17 =	vor.u32 v12, v29;
	v30 =	vadd.f32 v30, v25;
	v23 =	vld.idx.msk [tilespmem:v48+s28+$0x0], $0xffff;
	(pc) =	sbr.rel @p0 .LBB2_10-.Ltmp3, $4  }
0x197: {  	s0 =	sadd.s32 $0x3, s21;
	v19 =	vadd.f32 v32, v19;
	v29 =	vmul.f32 v16, v16;
	v18 =	vsub.f32 v18, v26;
	v24 =	vld.idx.msk [tilespmem:v46+s26+$0x0], $0xffff  }
0x198: {  	v14 =	vmov v27;
	v16 =	vmov s0;
	v25 =	vld.idx.msk [tilespmem:v48+s26+$0x0], $0xffff  }
0x199: {  	s0 =	sadd.s32 $0x1, s21;
	v31 =	vsub.f32 v30, v31;
	v19 =	vadd.f32 v29, v19;
	v29 =	vmul.f32 v18, v18;
	v26 =	vld.idx.msk [tilespmem:v48+s25+$0x0], $0xffff  }
0x19a: {  	s21 =	sadd.s32 $0x4, s21;
	v30 =	vand.u32 $0x3F, v16;
	v18 =	vmov s0;
	v27 =	vld.idx.msk [tilespmem:v46+s25+$0x0], $0xffff  }
0x19b: {  	_ =	sdelay $0x3  }
0x19c: {  	v32 =	vld.idx.msk [tilespmem:v28+s29+$0x0], $0xffff  }
0x19d: {  	v35 =	vld.idx.msk [tilespmem:v17+s28+$0x0], $0xffff  }
0x19e: {  	v33 =	vor.u32 v13, v30;
	v34 =	vand.u32 $0x3D, v18;
	v36 =	vld.idx.msk [tilespmem:v28+s28+$0x0], $0xffff  }
0x19f: {  	v37 =	vld.idx.msk [tilespmem:v17+s26+$0x0], $0xffff;
	v62 =	vor.u32 v13, v34  }
0x1a0: {  	v38 =	vld.idx.msk [tilespmem:v28+s26+$0x0], $0xffff;
	v34 =	vor.u32 v12, v34  }
0x1a1: {  	v63 =	vld.idx.msk [tilespmem:v28+s25+$0x0], $0xffff  }
0x1a2: {  	v41 =	vld.idx.msk [tilespmem:v17+s25+$0x0], $0xffff  }
0x1a3: {  	v31 =	vmul.f32 v31, v31;
	v12 =	vor.u32 v12, v30;
	v39 =	vld.idx.msk [tilespmem:v33+s25+$0x0], $0xffff  }
0x1a4: {  	v20 =	vmul.f32 v20, v4;
	v22 =	vmul.f32 v22, v6;
	v48 =	vld.idx.msk [tilespmem:v62+s25+$0x0], $0xffff  }
0x1a5: {  	v21 =	vmul.f32 v21, v5;
	v23 =	vmul.f32 v23, v7;
	v40 =	vld.idx.msk [tilespmem:v34+s25+$0x0], $0xffff  }
0x1a6: {  	v24 =	vmul.f32 v24, v8;
	v25 =	vmul.f32 v25, v9;
	v49 =	vld.idx.msk [tilespmem:v33+s26+$0x0], $0xffff  }
0x1a7: {  	v26 =	vmul.f32 v26, v10;
	v27 =	vmul.f32 v27, v11;
	v42 =	vld.idx.msk [tilespmem:v62+s26+$0x0], $0xffff  }
0x1a8: {  	v32 =	vmul.f32 v32, v5;
	v36 =	vmul.f32 v36, v7;
	v43 =	vld.idx.msk [tilespmem:v12+s25+$0x0], $0xffff  }
0x1a9: {  	v35 =	vmul.f32 v35, v6;
	v38 =	vmul.f32 v38, v9;
	v44 =	vld.idx.msk [tilespmem:v34+s26+$0x0], $0xffff;
	v26 =	vadd.f32 v27, v26  }
0x1aa: {  	v19 =	vadd.f32 v29, v19;
	v56 =	vld.idx.msk [tilespmem:v33+s28+$0x0], $0xffff;
	v30 =	vmul.f32 v48, v10;
	v40 =	vmul.f32 v40, v11  }
0x1ab: {  	v28 =	vmul.f32 v63, v10;
	v41 =	vmul.f32 v41, v11;
	v50 =	vld.idx.msk [tilespmem:v62+s28+$0x0], $0xffff;
	v25 =	vadd.f32 v25, v26  }
0x1ac: {  	v37 =	vmul.f32 v37, v8;
	v51 =	vld.idx.msk [tilespmem:v12+s26+$0x0], $0xffff;
	v52 =	vmul.f32 v42, v9;
	v30 =	vadd.f32 v40, v30  }
0x1ad: {  	v53 =	vld.idx.msk [tilespmem:v34+s28+$0x0], $0xffff;
	v28 =	vadd.f32 v41, v28;
	v54 =	vmul.f32 v39, v10;
	v24 =	vadd.f32 v24, v25  }
0x1ae: {  	v13 =	vld.idx.msk [tilespmem:v62+s29+$0x0], $0xffff;
	v55 =	vmul.f32 v43, v11;
	v58 =	vmul.f32 v44, v8;
	v57 =	vadd.f32 v52, v30  }
0x1af: {  	v60 =	vld.idx.msk [tilespmem:v12+s28+$0x0], $0xffff;
	v28 =	vadd.f32 v38, v28;
	v59 =	vmul.f32 v49, v9;
	v23 =	vadd.f32 v23, v24  }
0x1b0: {  	v63 =	vld.idx.msk [tilespmem:v34+s29+$0x0], $0xffff;
	v62 =	vmul.f32 v50, v7;
	v10 =	vadd.f32 v55, v54;
	v61 =	vadd.f32 v58, v57  }
0x1b1: {  	v28 =	vadd.f32 v37, v28;
	v29 =	vmul.f32 v51, v8;
	v37 =	vld.idx.msk [tilespmem:v17+s29+$0x0], $0xffff;
	v22 =	vadd.f32 v22, v23  }
0x1b2: {  	v34 =	vmul.f32 v53, v6;
	v9 =	vadd.f32 v59, v10;
	v30 =	vld.idx.msk [tilespmem:v33+s29+$0x0], $0xffff;
	v33 =	vadd.f32 v62, v61  }
0x1b3: {  	v13 =	vmul.f32 v13, v5;
	v38 =	vadd.f32 v36, v28;
	v42 =	vadd.f32 v21, v22  }
0x1b4: {  	v41 =	vld.idx.msk [tilespmem:v12+s29+$0x0], $0xffff;
	v40 =	vmul.f32 v56, v7;
	v8 =	vadd.f32 v29, v9;
	v43 =	vadd.f32 v34, v33  }
0x1b5: {  	v44 =	vld.idx.msk [tilespmem:v18+s11+$0x0], $0xffff;
	v46 =	vmul.f32 v60, v6;
	v45 =	vadd.f32 v35, v38;
	v47 =	vadd.f32 v20, v42  }
0x1b6: {  	v49 =	vmul.f32 v63, v4;
	v50 =	vld.idx.msk [tilespmem:v15+s11+$0x0], $0xffff;
	v7 =	vadd.f32 v40, v8;
	v48 =	vadd.f32 v13, v43  }
0x1b7: {  	v54 =	vmul.f32 v37, v4;
	v51 =	vadd.f32 v32, v45;
	v52 =	vsub.f32 v47, v14  }
0x1b8: {  	v5 =	vmul.f32 v30, v5;
	v6 =	vadd.f32 v46, v7;
	v53 =	vadd.f32 v49, v48  }
0x1b9: {  	v55 =	vadd.f32 v31, v19;
	v56 =	vld.idx.msk [tilespmem:v16+s11+$0x0], $0xffff;
	v4 =	vmul.f32 v41, v4;
	v59 =	vadd.f32 v54, v51  }
0x1ba: {  	v57 =	vmul.f32 v52, v52;
	v5 =	vadd.f32 v5, v6;
	v58 =	vsub.f32 v53, v44  }
0x1bb: {  	v61 =	vsub.f32 v59, v50  }
0x1bc: {  	v4 =	vadd.f32 v4, v5;
	v5 =	vadd.f32 v57, v55;
	v60 =	vmul.f32 v58, v58;
	_ =	sdelay $0x1  }
0x1bd: {  	v62 =	vmul.f32 v61, v61;
	v4 =	vsub.f32 v4, v56;
	v5 =	vadd.f32 v60, v5;
	_ =	sdelay $0x1  }
0x1be: {  	v4 =	vmul.f32 v4, v4;
	v5 =	vadd.f32 v62, v5  }
0x1bf: {  	v63 =	vld [tilespmem:s19+$0x2400]  }
0x1c0: {  	v4 =	vadd.f32 v4, v5;
	_ =	sdelay $0x1  }
0x1c1: {  	v4 =	vmul.f32 $-7.812500000e-03, v4;
	_ =	sdelay $0x1  }
0x1c2: {  	v4 =	vadd.f32 v4, v63;
	_ =	sdelay $0x1  }
0x1c3: {  	v4 =	vmul.f32 $1.442695020e+00, v4;
	_ =	sdelay $0x1  }
0x1c4: {  	(erf) = vpow2.f32 v4;
	_ =	sdelay $0x3  }
0x1c5: {  	s17 =	sadd.s32 $0x1, s17  }
0x1c6: {  	p0 =	sne.s32 s17, $0x4  }
.Ltmp4:
0x1c7: {  	_ = 	snop;
	(pc) =	sbr.rel @p0 .LBB2_9-.Ltmp4, $3  }
0x1c8: {  	_ =	sdelay $0x1  }
0x1c9: {  	v4 =	vpop (erf)  }
0x1ca: {  	[tilespmem:s19+$0x12840] =	vst v4  }
0x1cb: {  	s13 =	sadd.s32 $0x1, s13  }
0x1cc: {  	p0 =	sne.s32 s13, $0x8  }
.Ltmp5:
0x1cd: {  	_ = 	snop;
	(pc) =	sbr.rel @p0 .LBB2_4-.Ltmp5, $1  }
0x1ce: {  	_ =	sdelay $0x3  }
0x1cf: {  	s1 =	sadd.s32 $0x1, s1  }
0x1d0: {  	p0 =	sne.s32 s1, s10  }
.Ltmp6:
0x1d1: {  	s0 =	simm.s32 $0x12840;
	(pc) =	sbr.rel @p0 .LBB2_1-.Ltmp6, $4  }
0x1d2: {  	[hbm4b:s9+s2] =	stream.linear.scatter [tilespmem:s0], [sflag:$0x3], $0x400, $0x38;
	[tilespmem:$0x15440] =	vst v63  }
0x1d3: {  	_ =	swait.ge [sflag:s12], $0x400  }
0x1d4: {  	[sflag:s12] =	ssyncset.done $0x0  }
0x1d5: {  	[sflag:s12] =	ssyncadd.s32 $0xFFFFFC00  }
0x1d6: {  	_ =	sfence.sel $0x180000  }
0x1d7: {  	[bflag:$0x0] =	sbarrier.arrive $0xFFFF  }
0x1d8: {  	_ =	strace $0x9000004A  }
0x1d9: {  	s0 =	stileid.u32;
	[bflag:$0x2] =	sbarrier.arrive $0xFFFF  }
0x1da: {  	p0 =	sne.s32 s0, $0x0;
	s0 =	rddreg [dreg:$0x2]  }
0x1db: {  	s0 =	sadd.s32 @!p0 $0x100000, s0  }
0x1dc: {  	[sflag:s0] =	ssyncadd.tile.s32 @!p0 $0x1;
	_ =	shalt  }
.Lfunc_end2:
_tile_overlayer_lowered:
.L_overlay_start_2:
0x1dd: {  	(tag) =	ssettag $0x2  }
0x1de: {  	s0 =	rddreg [dreg:$0x0];
	s2 =	stileid.u32  }
0x1df: {  	s1 =	rddreg [dreg:$0x1];
	p0 =	sne.s32 s2, $0x0  }
0x1e0: {  	s3 =	rddreg [dreg:$0x2];
	[bflag:$0x3] =	sbarrier.arrive $0xFFFF;
	s2 =	simm.s32 @!p0 $0x1C03  }
0x1e1: {  	[timem:s3], [sflag:s2] =	dma.local @!p0 [hbm:s0], s1  }
0x1e2: {  	s0 =	simm.s32 @!p0 $0x3  }
0x1e3: {  	_ =	swait.ge @!p0 [sflag:s0], s1  }
0x1e4: {  	s1 =	ssub.s32 @!p0 $0x0, s1;
	[sflag:s0] =	ssyncset.done @!p0 $0x0  }
0x1e5: {  	[sflag:s0] =	ssyncadd.s32 @!p0 s1  }
0x1e6: {  	[bflag:$0x3] =	sbarrier.arrive $0xFFFF  }
0x1e7: {  	_ =	shalt  }

// kernel: sparse-core-data-format-call.cloned.1.call-start
scs
called_computation_lowered:
.L_overlay_start_0:
0x0: {  	s2 =	sld [smem:$0x3FD9]  }
0x1: {  	s3 =	sld [smem:$0x3FFE];
	_ =	sdelay $0x1  }
0x2: {  	s1 =	srdreg.scid  }
0x3: {  	s0 =	sand.u32 $0x1, s1  }
0x4: {  	s18 =	sshll.u32 s0, $0xA;
	s2 =	sadd.s32 s3, s2  }
0x5: {  	s2 =	sadd.s32 s2, s18  }
0x6: {  	[smem:$0x3FC4] =	sst s2  }
0x7: {  	_ = 	snop  }
0x8: {  	s2 =	sld [smem:$0x3FC8];
	(tm) =	ssettm $0x1  }
0x9: {  	s19 =	sld [smem:$0x3FFB];
	_ =	sdelay $0x3  }
0xa: {  	_ =	strace s19  }
0xb: {  	s3 =	sld [smem:$0x3FFC];
	_ =	sdelay $0x3  }
0xc: {  	_ =	strace s3  }
0xd: {  	s3 =	sld [smem:$0x3FFD];
	_ =	sdelay $0x3  }
0xe: {  	_ =	strace s3  }
0xf: {  	_ =	strace $0x8FFFFFFF  }
0x10: {  	s20 =	sld [smem:$0x3FDB];
	_ =	sdelay $0x1  }
0x11: {  	s4 =	simm.s32 $_scs_section_size  }
0x12: {  	s5 =	simm.s32 $_size__tile_overlayer_lowered;
	s6 =	simm.s32 $_tile_overlayer_lowered  }
0x13: {  	s23 =	simm.s32 $0x1BFF;
	s22 =	sshll.u32 s6, $0x1;
	s3 =	sadd.s32 s4, s20  }
0x14: {  	s7 =	simm.s32 $0x0;
	s21 =	sshll.u32 s5, $0x1;
	s5 =	sadd.s32 s22, s3  }
0x15: {  	[timem:s7], [sflag:s23] =	dma.local [hbm:s5], s21  }
0x16: {  	_ =	swait.ge [sflag:s23], s21  }
0x17: {  	s4 =	ssub.s32 $0x0, s21;
	[sflag:s23] =	ssyncset.done $0x0  }
0x18: {  	[sflag:s23] =	ssyncadd.s32 s4;
	_ =	sdelay $0x1  }
0x19: {  	s24 =	simm.s32 $0x1B8B  }
0x1a: {  	_ =	swait.ge [sflag:s24], $0x1  }
0x1b: {  	[sflag:s24] =	ssyncset.done $0x0  }
0x1c: {  	s26 =	simm.s32 $0x1B8E;
	s25 =	sld [smem:$0x3FFE];
	[sflag:s24] =	ssyncadd.s32 $0xFFFFFFFF  }
0x1d: {  	s27 =	simm.s32 $execute0_lowered;
	[smem:$0x3FD2] =	sst s26  }
0x1e: {  	s5 =	sshll.u32 s27, $0x1;
	_ =	strace $0x80000046;
	[dreg:$0x1] =	wrdreg $0xFFFFFFFF  }
0x1f: {  	s28 =	simm.s32 $_size_execute0_lowered;
	s3 =	sadd.s32 s3, s5;
	[dreg:$0x0] =	wrdreg $0x0  }
0x20: {  	s5 =	sshll.u32 s28, $0x1;
	[dreg:$0x2] =	wrdreg s3  }
0x21: {  	[dreg:$0x3] =	wrdreg s5  }
0x22: {  	[dreg:$0x4] =	wrdreg $0xC0  }
0x23: {  	_ =	task [dreg:s7], $0x5FFFF  }
0x24: {  	[dreg:$0x1] =	wrdreg $0xFFFFFFFF  }
0x25: {  	[dreg:$0x0] =	wrdreg $0x60  }
0x26: {  	[dreg:$0x2] =	wrdreg s2  }
0x27: {  	[dreg:$0x3] =	wrdreg s25  }
0x28: {  	[dreg:$0x4] =	wrdreg $0x9  }
0x29: {  	_ =	task.clear_ibuf [dreg:s7], $0x5FFFF;
	_ =	strace $0x90000046  }
0x2a: {  	s29 =	simm.s32 $0x9;
	_ =	strace $0x80000048  }
0x2b: {  	_ =	swait.ge [sflag:s29], $0x1  }
0x2c: {  	[sflag:s29] =	ssyncadd.s32 $0xFFFFFFFF  }
0x2d: {  	_ =	strace $0x90000048  }
0x2e: {  	_ =	sfence  }
0x2f: {  	s30 =	sld [smem:$0x0];
	_ =	sdelay $0x2  }
0x30: {  	s31 =	sshll.u32 s1, $0xD;
	s1 =	sshrl.u32 s1, $0x2  }
0x31: {  	s3 =	sand.u32 $0x4000, s31;
	s1 =	sadd.s32 s1, s30  }
0x32: {  	s0 =	sor.u32 s3, s0;
	s1 =	sshll.u32 s1, $0x11  }
0x33: {  	s0 =	sor.u32 s1, s0  }
0x34: {  	s0 =	sadd.s32 $0x8F2B, s0  }
0x35: {  	[sflag:s0] =	ssyncadd.remote.s32 $0x1  }
0x36: {  	_ =	sfence.sel $0xFFFF  }
0x37: {  	[dreg:$0x0] =	wrdreg $0xFFFFFFFF;
	(pc) =	sbr.abs _section_cstart, $3  }
0x38: {  	[dreg:$0x1] =	wrdreg $0xFFFFFFFF  }
0x39: {  	_ =	task.clear_ibuf [dreg:s7], $0x2FFFF;
	_ =	strace $0x9FFFFFFF  }
0x3a: {  	(tm) =	ssettm $0x7FFFFFFF  }
0x3b: {  	_ =	shalt  }
tec
execute0_lowered:
.L_overlay_start_1:
0x0: {  	(tag) =	ssettag $0x1  }
0x1: {  	s2 =	rddreg [dreg:$0x0]  }
0x2: {  	s8 =	rddreg [dreg:$0x1]  }
0x3: {  	s0 =	stileid.u32;
	s1 =	rddreg [dreg:$0x2]  }
0x4: {  	s4 =	srdreg.scid;
	_ =	strace $0x80000047;
	s31 =	simm.s32 $0x2  }
0x5: {  	s16 =	simm.s32 $0x0;
	p0 =	por $0x0, $0x0;
	s10 =	simm.s32 $0x400  }
0x6: {  	s18 =	simm.s32 $0x0;
	s17 =	simm.s32 $0x0;
	s19 =	simm.s32 $0x0  }
0x7: {  	s11 =	simm.s32 $0x0;
	s13 =	simm.s32 $0x0;
	s3 =	sshll.u32 s0, $0x1  }
0x8: {  	s15 =	simm.s32 $0x0;
	s5 =	sshll.u32 s4, $0x4;
	s3 =	sand.u32 $0x2, s3  }
0x9: {  	s4 =	sadd.s32 $0x1000, s8;
	s8 =	sadd.s32 $0x201000, s8;
	s6 =	ssub.s32 $0x4, s3  }
.Ltmp0:
0xa: {  	s5 =	sand.u32 $0x10, s5;
	s7 =	sshrl.u32 s6, $0x1;
	(pc) =	sbr.rel .LBB1_1-.Ltmp0, $4  }
0xb: {  	s5 =	sor.u32 s0, s5;
	s9 =	sshrl.u32 s6, $0x2;
	s7 =	sand.u32 $0x1, s7  }
0xc: {  	s14 =	smov.u32 s3;
	s6 =	simm.s32 $0x1;
	s7 =	sadd.s32 s9, s7  }
0xd: {  	s5 =	sshrl.u32 s5, $0x1;
	[sflag:s6] =	ssyncpa.u1 $0x0;
	s7 =	sshll.u32 s7, $0x6  }
0xe: {  	s12 =	smov.u32 s5;
	[sflag:s31] =	ssyncpa.u1 $0x0;
	s9 =	sor.u32 $0x1, s7  }
.LBB1_7:
0xf: {  	s20 =	sadd.s32 $0x1, s11  }
0x10: {  	s16 =	sadd.s32 $0x10, s12;
	s21 =	smov.u32 s12;
	p2 =	sgt.s32 s20, $0x7  }
0x11: {  	s21 =	smov.u32 @p2 s16  }
0x12: {  	s22 =	smov.u32 s13;
	s16 =	sadd.s32 $0x40, s13;
	p3 =	sgt.s32 s21, $0x7F  }
0x13: {  	s22 =	smov.u32 @p3 s16  }
0x14: {  	s23 =	smov.u32 s14;
	s16 =	sadd.s32 $0x4, s14;
	p4 =	sgt.s32 s22, $0x3F  }
0x15: {  	p1 =	slt.u32 s15, $0x2;
	s23 =	smov.u32 @p4 s16  }
0x16: {  	s18 =	smov.u32 s12;
	s20 =	simm.s32 @p2 $0x0;
	p2 =	sgt.s32 s23, $0x3  }
0x17: {  	s24 =	simm.s32 @!p1 $0x2;
	s23 =	smov.u32 @p2 s3;
	p2 =	sne.s32 s15, s9  }
.Ltmp1:
0x18: {  	s17 =	smov.u32 s13;
	_ =	swait.ge @!p1 [sflag:s24], $0x4000;
	(pc) =	sbr.rel @!p2 .LBB1_8-.Ltmp1, $4  }
0x19: {  	s19 =	smov.u32 s14;
	[sflag:s24] =	ssyncset.done @!p1 $0x0;
	s21 =	smov.u32 @p3 s5  }
0x1a: {  	p0 =	por !p0, !p0;
	[sflag:s24] =	ssyncadd.s32 @!p1 $0xFFFFC000;
	s12 =	smov.u32 s21  }
0x1b: {  	s22 =	simm.s32 @p4 $0x0;
	s16 =	smov.u32 s11;
	s11 =	smov.u32 s20  }
0x1c: {  	s13 =	smov.u32 s22;
	s15 =	sadd.s32 $0x1, s15;
	s14 =	smov.u32 s23  }
.LBB1_1:
0x1d: {  	p1 =	sge.u32 s15, s7  }
0x1e: {  	s31 =	sadd.s32 $0xFFFFFFFF, s15;
	s20 =	sxor.u32 @!p1 $0xFFFFFFFF, s15;
	s21 =	sshll.u32 @!p1 s14, $0x14  }
0x1f: {  	s22 =	sshll.u32 @!p1 s13, $0xE;
	s23 =	sshll.u32 @!p1 s12, $0x7;
	s21 =	sadd.s32 @!p1 s2, s21  }
0x20: {  	s24 =	sshll.u32 @!p1 s11, $0x4;
	s20 =	sshll.u32 @!p1 s20, $0xE;
	s21 =	sadd.s32 @!p1 s22, s21  }
0x21: {  	s20 =	sand.u32 @!p1 $0x4000, s20;
	s22 =	sand.u32 @!p1 $0x70, s24;
	s21 =	sadd.s32 @!p1 s23, s21  }
0x22: {  	s23 =	simm.s32 @!p1 $0x20000;
	s21 =	sadd.s32 @!p1 s22, s21;
	s22 =	simm.s32 @!p1 $0x80  }
0x23: {  	[tilespmem:s20], [sflag:$0x1] =	stream.strided.gather @!p1 [hbm4b:s21+s22], $0x4000, s23, s22, $0x38;
	[tilespmem:$0x10200] =	vst v63  }
0x24: {  	p1 =	sge.u32 s31, s7  }
.Ltmp2:
0x25: {  	_ = 	snop;
	(pc) =	sbr.rel @p1 .LBB1_7-.Ltmp2, $1  }
0x26: {  	_ =	sdelay $0x3  }
0x27: {  	s20 =	simm.s32 $0x1;
	s22 =	sand.u32 $0x1, s15  }
0x28: {  	_ =	swait.ge [sflag:s6], $0x4000;
	s20 =	simm.s32 @!p0 $0x0;
	s22 =	smul.u32 $0x10400, s22  }
0x29: {  	s24 =	simm.s32 $0x0;
	[sflag:s6] =	ssyncset.done $0x0;
	s21 =	smul.u32 $0x10400, s20  }
0x2a: {  	p2 =	por $0x1, $0x1;
	s23 =	sshll.u32 s20, $0x10;
	[sflag:s6] =	ssyncadd.s32 $0xFFFFC000  }
0x2b: {  	s20 =	sshrl.u32 s22, $0x2;
	s23 =	sshrl.u32 s23, $0x2;
	s31 =	sshrl.u32 s21, $0x2  }
0x2c: {  	s21 =	sor.u32 $0x8000, s20;
	s23 =	sadd.s32 $0x40, s23;
	s22 =	sor.u32 $0x8000, s31  }
.LBB1_3:
0x2d: {  	s25 =	sshll.u32 s24, $0xD  }
0x2e: {  	s25 =	sand.u32 $0x3FFFE000, s25  }
0x2f: {  	s26 =	sadd.s32 s25, s23  }
0x30: {  	s31 =	smul.u32 $0x8200, s24;
	v0 =	vld [tilespmem:s26+$0x30]  }
0x31: {  	v1 =	vld [tilespmem:s26+$0xFFFFFFD0]  }
0x32: {  	s24 =	sshra.s32 s31, $0x2;
	v5 =	vld [tilespmem:s26+$0xFFFFFFE0]  }
0x33: {  	s24 =	sadd.s32 s24, s22;
	v6 =	vld [tilespmem:s26+$0xFFFFFFF0]  }
0x34: {  	v2 =	vld [tilespmem:s26+$0x0];
	s25 =	sadd.s32 $0x0, s24  }
0x35: {  	v3 =	vld [tilespmem:s26+$0x10];
	[tilespmem:s25+$0x1C70 ss:$0x41] =	vst.msk $0xffff, v0  }
0x36: {  	v4 =	vld [tilespmem:s26+$0x20];
	[tilespmem:s25+$0x410 ss:$0x41] =	vst.msk $0xffff, v1  }
0x37: {  	v0 =	vld [tilespmem:s26+$0xFFFFFFC0];
	[tilespmem:s25+$0x820 ss:$0x41] =	vst.msk $0xffff, v5;
	s26 =	sadd.s32 $0x80, s26  }
0x38: {  	p1 =	por p2, p2;
	s27 =	simm.s32 $0x4;
	s28 =	simm.s32 $0x8;
	[tilespmem:s25+$0xC30 ss:$0x41] =	vst.msk $0xffff, v6;
	v1 =	vld [tilespmem:s26+$0x30]  }
.LBB1_4:
0x39: {  	p2 =	sne.s32 s28, $0xFC;
	v5 =	vld [tilespmem:s26+$0xFFFFFFD0];
	[tilespmem:s25+$0x1040 ss:$0x41] =	vst.msk $0xffff, v2  }
0x3a: {  	v6 =	vld [tilespmem:s26+$0xFFFFFFE0];
	[tilespmem:s25+$0x1450 ss:$0x41] =	vst.msk $0xffff, v3  }
0x3b: {  	s29 =	sshra.s32 s27, $0x2;
	s27 =	smov.u32 s28;
	v7 =	vld [tilespmem:s26+$0xFFFFFFF0];
	[tilespmem:s25+$0x1860 ss:$0x41] =	vst.msk $0xffff, v4  }
.Ltmp3:
0x3c: {  	v2 =	vld [tilespmem:s26+$0x0];
	[tilespmem:s25+$0x0 ss:$0x41] =	vst.msk $0xffff, v0;
	s25 =	sadd.s32 s29, s24;
	(pc) =	sbr.rel @p2 .LBB1_4-.Ltmp3, $4  }
0x3d: {  	v3 =	vld [tilespmem:s26+$0x10];
	[tilespmem:s25+$0x1C70 ss:$0x41] =	vst.msk $0xffff, v1  }
0x3e: {  	[tilespmem:s25+$0x410 ss:$0x41] =	vst.msk $0xffff, v5;
	v4 =	vld [tilespmem:s26+$0x20]  }
0x3f: {  	v0 =	vld [tilespmem:s26+$0xFFFFFFC0];
	[tilespmem:s25+$0x820 ss:$0x41] =	vst.msk $0xffff, v6;
	s26 =	sadd.s32 $0x80, s26  }
0x40: {  	s28 =	sadd.s32 $0x4, s28;
	v1 =	vld [tilespmem:s26+$0x30];
	[tilespmem:s25+$0xC30 ss:$0x41] =	vst.msk $0xffff, v7  }
0x41: {  	v5 =	vld [tilespmem:s26+$0xFFFFFFD0];
	[tilespmem:s25+$0x1040 ss:$0x41] =	vst.msk $0xffff, v2  }
0x42: {  	v58 =	vld [tilespmem:s26+$0xFFFFFFE0];
	[tilespmem:s25+$0x1450 ss:$0x41] =	vst.msk $0xffff, v3  }
0x43: {  	s27 =	sshra.s32 s27, $0x2;
	v59 =	vld [tilespmem:s26+$0xFFFFFFF0];
	[tilespmem:s25+$0x1860 ss:$0x41] =	vst.msk $0xffff, v4  }
0x44: {  	v60 =	vld [tilespmem:s26+$0x0];
	s24 =	sadd.s32 s27, s24;
	[tilespmem:s25+$0x0 ss:$0x41] =	vst.msk $0xffff, v0  }
0x45: {  	v61 =	vld [tilespmem:s26+$0x10];
	[tilespmem:s24+$0x1C70 ss:$0x41] =	vst.msk $0xffff, v1  }
0x46: {  	v62 =	vld [tilespmem:s26+$0x20];
	[tilespmem:s24+$0x410 ss:$0x41] =	vst.msk $0xffff, v5  }
0x47: {  	v63 =	vld [tilespmem:s26+$0xFFFFFFC0];
	[tilespmem:s24+$0x820 ss:$0x41] =	vst.msk $0xffff, v58  }
.Ltmp4:
0x48: {  	[tilespmem:s24+$0xC30 ss:$0x41] =	vst.msk $0xffff, v59;
	(pc) =	sbr.rel @p1 .LBB1_3-.Ltmp4, $4  }
0x49: {  	[tilespmem:s24+$0x1040 ss:$0x41] =	vst.msk $0xffff, v60  }
0x4a: {  	[tilespmem:s24+$0x1450 ss:$0x41] =	vst.msk $0xffff, v61  }
0x4b: {  	[tilespmem:s24+$0x1860 ss:$0x41] =	vst.msk $0xffff, v62  }
0x4c: {  	p2 =	por $0x0, $0x0;
	[tilespmem:s24+$0x0 ss:$0x41] =	vst.msk $0xffff, v63;
	s24 =	simm.s32 $0x1  }
0x4d: {  	s19 =	sshll.u32 s19, $0x15;
	s18 =	sshll.u32 s18, $0xE  }
0x4e: {  	s16 =	sshll.u32 s16, $0x4;
	s22 =	sshrl.u32 s17, $0x3;
	s30 =	sand.u32 $0x7, s17  }
0x4f: {  	s23 =	sadd.s32 s19, s18;
	s22 =	sand.u32 $0xF, s22;
	s16 =	sand.u32 $0x70, s16  }
0x50: {  	s17 =	sshll.u32 s30, $0x12;
	s19 =	sadd.s32 s19, s8;
	s23 =	sadd.s32 s4, s23  }
.Ltmp5:
0x51: {  	s18 =	sadd.s32 s18, s19;
	s23 =	sadd.s32 s22, s23;
	(pc) =	sbr.rel .LBB1_7-.Ltmp5, $4  }
0x52: {  	s17 =	sor.u32 $0x40, s17;
	s18 =	sadd.s32 s22, s18;
	s23 =	sadd.s32 s16, s23  }
0x53: {  	[hbm4b:s23+s17] =	stream.strided.scatter [tilespmem:s21], [sflag:$0x2], $0x2000, s10, s17, $0x18;
	[tilespmem:$0x10200] =	vst v63  }
0x54: {  	s31 =	sadd.s32 $0xA080, s20;
	s16 =	sadd.s32 s16, s18  }
0x55: {  	[hbm4b:s16+s17] =	stream.strided.scatter [tilespmem:s31], [sflag:$0x2], $0x2000, s10, s17, $0x18;
	[tilespmem:$0x10200] =	vst v63  }
.LBB1_8:
0x56: {  	_ =	sfence.sel $0x180000  }
0x57: {  	s2 =	simm.s32 $0x1;
	[bflag:$0x0] =	sbarrier.arrive $0xFFFF  }
0x58: {  	s31 =	simm.s32 $0x2;
	[sflag:s2] =	ssyncpa.u1 $0x1  }
0x59: {  	[sflag:s31] =	ssyncpa.u1 $0x1  }
0x5a: {  	p0 =	sne.s32 s0, $0x0;
	_ =	strace $0x90000047  }
0x5b: {  	s0 =	sadd.s32 @!p0 $0x100000, s1;
	[bflag:$0x2] =	sbarrier.arrive $0xFFFF  }
0x5c: {  	[sflag:s0] =	ssyncadd.tile.s32 @!p0 $0x1;
	_ =	shalt  }
.Lfunc_end1:
_tile_overlayer_lowered:
.L_overlay_start_2:
0x5d: {  	(tag) =	ssettag $0x2  }
0x5e: {  	s0 =	rddreg [dreg:$0x0];
	s2 =	stileid.u32  }
0x5f: {  	s1 =	rddreg [dreg:$0x1];
	p0 =	sne.s32 s2, $0x0  }
0x60: {  	s3 =	rddreg [dreg:$0x2];
	[bflag:$0x3] =	sbarrier.arrive $0xFFFF;
	s2 =	simm.s32 @!p0 $0x1C01  }
0x61: {  	[timem:s3], [sflag:s2] =	dma.local @!p0 [hbm:s0], s1  }
0x62: {  	s0 =	simm.s32 @!p0 $0x1  }
0x63: {  	_ =	swait.ge @!p0 [sflag:s0], s1  }
0x64: {  	s1 =	ssub.s32 @!p0 $0x0, s1;
	[sflag:s0] =	ssyncset.done @!p0 $0x0  }
0x65: {  	[sflag:s0] =	ssyncadd.s32 @!p0 s1  }
0x66: {  	[bflag:$0x3] =	sbarrier.arrive $0xFFFF  }
0x67: {  	_ =	shalt  }

</sc_bundles>
